<compile_context>
chip_gen: v7x
topology: tpu7x:2x2x1
jax: 0.10.2.dev20260603
libtpu: 0.0.44.dev20260713+nightly
codegen_flags: <defaults>
</compile_context>

<pallas_src>
import functools

import jax
import jax.numpy as jnp
from jax import lax
from jax.experimental import pallas as pl
from jax.experimental.pallas import tpu as pltpu
from jax.experimental.pallas import tpu_sc as plsc

N = 10000
E = 320000
D = 128
SIM_T = 0.5
DEG_T = 2.0

NC = 2
NS = 16
NW = NC * NS
EPW = E // NW
CHUNK = 80
NCHUNK = EPW // CHUNK
GROUPS = CHUNK // 16

ROW_BLK = 1000


def _norm_body(x_ref, o_ref):
    xb = x_ref[...]
    s = jnp.sum(xb * xb, axis=1, keepdims=True)
    o_ref[...] = xb / jnp.sqrt(s)


def _normalize(x):
    return pl.pallas_call(
        _norm_body,
        grid=(N // ROW_BLK,),
        in_specs=[pl.BlockSpec((ROW_BLK, D), lambda i: (i, 0))],
        out_specs=pl.BlockSpec((ROW_BLK, D), lambda i: (i, 0)),
        out_shape=jax.ShapeDtypeStruct((N, D), jnp.float32),
    )(x)


def _sc_edge_body(xn_hbm, row_hbm, col_hbm, c_out, deg_out,
                  rowi_v, coli_v, u_v, v_v, c_p, deg_p, sem_u, sem_v):
    cid = lax.axis_index("c")
    sid = lax.axis_index("s")
    wid = sid * NC + cid
    base = wid * EPW

    zero16 = jnp.zeros((16,), jnp.float32)
    ones16 = jnp.ones((16,), jnp.float32)
    lanes = lax.iota(jnp.int32, 16)

    def _zero(i, carry):
        c_p[pl.ds(i * 16, 16)] = zero16
        deg_p[pl.ds(i * 16, 16)] = zero16
        return carry
    lax.fori_loop(0, N // 16, _zero, 0)

    def _chunk(g, carry):
        cbase = base + g * CHUNK
        pltpu.sync_copy(row_hbm.at[pl.ds(cbase, CHUNK)], rowi_v)
        pltpu.sync_copy(col_hbm.at[pl.ds(cbase, CHUNK)], coli_v)
        du = pltpu.async_copy(xn_hbm.at[rowi_v], u_v, sem_u)
        dv = pltpu.async_copy(xn_hbm.at[coli_v], v_v, sem_v)
        du.wait()
        dv.wait()
        for grp in range(GROUPS):
            elanes = lanes + (grp * 16)

            def _dstep(j, acc):
                for u8 in range(8):
                    dvec = jnp.broadcast_to(j * 8 + u8, (16,))
                    uu = plsc.load_gather(u_v, [elanes, dvec])
                    vv = plsc.load_gather(v_v, [elanes, dvec])
                    acc = acc + uu * vv
                return acc

            acc = lax.fori_loop(0, D // 8, _dstep, zero16)
            cols = coli_v[pl.ds(grp * 16, 16)]
            plsc.addupdate_scatter(c_p, [cols], acc)
            plsc.addupdate_scatter(deg_p, [cols], ones16)
        return carry

    lax.fori_loop(0, NCHUNK, _chunk, 0)

    pltpu.sync_copy(c_p, c_out.at[wid])
    pltpu.sync_copy(deg_p, deg_out.at[wid])


_edge_call = pl.kernel(
    _sc_edge_body,
    out_type=[
        jax.ShapeDtypeStruct((NW, N), jnp.float32),
        jax.ShapeDtypeStruct((NW, N), jnp.float32),
    ],
    mesh=plsc.VectorSubcoreMesh(core_axis_name="c", subcore_axis_name="s"),
    compiler_params=pltpu.CompilerParams(needs_layout_passes=False),
    scratch_types=[
        pltpu.VMEM((CHUNK,), jnp.int32),
        pltpu.VMEM((CHUNK,), jnp.int32),
        pltpu.VMEM((CHUNK, D), jnp.float32),
        pltpu.VMEM((CHUNK, D), jnp.float32),
        pltpu.VMEM((N,), jnp.float32),
        pltpu.VMEM((N,), jnp.float32),
        pltpu.SemaphoreType.DMA,
        pltpu.SemaphoreType.DMA,
    ],
)


def _final_body(x_ref, c_ref, dg_ref, psim_ref, pdeg_ref, poth_ref, ro_ref,
                wi_ref, bi_ref, wo_ref, bo_ref, o_ref):
    c = jnp.sum(c_ref[...], axis=1, keepdims=True)
    deg = jnp.sum(dg_ref[...], axis=1, keepdims=True)
    csim = c / deg
    sim_m = csim <= SIM_T
    deg_m = deg <= DEG_T
    not_sim = jnp.logical_not(sim_m)
    not_deg = jnp.logical_not(deg_m)
    f32 = lambda m: m.astype(jnp.float32)
    S = jnp.concatenate([
        f32(jnp.logical_and(sim_m, deg_m)),
        f32(jnp.logical_and(sim_m, not_deg)),
        f32(jnp.logical_and(not_sim, deg_m)),
        f32(jnp.logical_and(not_sim, not_deg)),
    ], axis=1)

    ro = ro_ref[...]
    ps = psim_ref[...]
    pd = pdeg_ref[...]
    po = poth_ref[...]
    z = jnp.zeros_like(ro)
    toks = jnp.concatenate([
        ro, ps, pd, z,
        ro, ps, z, z,
        ro, z, pd, z,
        ro, z, z, po,
    ], axis=0)
    bi = bi_ref[...]
    qkv = lax.dot_general(toks, wi_ref[...], (((1,), (1,)), ((), ())),
                          preferred_element_type=jnp.float32) + bi
    kk = qkv[:, D:2 * D]
    vv = qkv[:, 2 * D:]
    qv = qkv[0:1, :D]
    svec = lax.dot_general(qv, kk, (((1,), (1,)), ((), ())),
                           preferred_element_type=jnp.float32) / (D ** 0.5)
    svec_b = jnp.broadcast_to(svec, (4, 16))
    col_grp = lax.broadcasted_iota(jnp.int32, (4, 16), 1) // 4
    row_id = lax.broadcasted_iota(jnp.int32, (4, 16), 0)
    sm = jnp.where(col_grp == row_id, svec_b, -1e30)
    attn = jax.nn.softmax(sm, axis=-1)
    ctx = lax.dot_general(attn, vv, (((1,), (0,)), ((), ())),
                          preferred_element_type=jnp.float32)
    tbl = lax.dot_general(ctx, wo_ref[...], (((1,), (1,)), ((), ())),
                          preferred_element_type=jnp.float32) + bo_ref[...]
    prompt = lax.dot_general(S, tbl, (((1,), (0,)), ((), ())),
                             preferred_element_type=jnp.float32)
    o_ref[...] = x_ref[...] + prompt


def _finalize(x, c_parts, deg_parts, psim, pdeg, poth, ro, wi, bi, wo, bo):
    full = lambda shape: pl.BlockSpec(shape, lambda i: tuple(0 for _ in shape))
    return pl.pallas_call(
        _final_body,
        grid=(N // ROW_BLK,),
        in_specs=[
            pl.BlockSpec((ROW_BLK, D), lambda i: (i, 0)),
            pl.BlockSpec((ROW_BLK, NW), lambda i: (i, 0)),
            pl.BlockSpec((ROW_BLK, NW), lambda i: (i, 0)),
            full((1, D)),
            full((1, D)),
            full((1, D)),
            full((1, D)),
            full((3 * D, D)),
            full((1, 3 * D)),
            full((D, D)),
            full((1, D)),
        ],
        out_specs=pl.BlockSpec((ROW_BLK, D), lambda i: (i, 0)),
        out_shape=jax.ShapeDtypeStruct((N, D), jnp.float32),
    )(x, c_parts, deg_parts, psim, pdeg, poth, ro, wi, bi, wo, bo)


@jax.jit
def kernel(x, edge_index, prompt_sim_pt, prompt_degree_pt, prompt_other_pt,
           readout_token, in_proj_w, in_proj_b, out_proj_w, out_proj_b):
    row = edge_index[0]
    col = edge_index[1]
    xn = _normalize(x)
    c_parts, deg_parts = _edge_call(xn, row, col)
    c_parts = c_parts.T
    deg_parts = deg_parts.T
    ro = readout_token.reshape(1, D)
    bi = in_proj_b.reshape(1, 3 * D)
    bo = out_proj_b.reshape(1, D)
    return _finalize(x, c_parts, deg_parts, prompt_sim_pt, prompt_degree_pt,
                     prompt_other_pt, ro, in_proj_w, bi, out_proj_w, bo)

# --- scband reference (transcript-rebuilt; emitter-appended) ---
"""Pipeline reference for scband-robust-prompt-i-61924838473938 (READ-ONLY COPY).

The authoritative reference and input builder live on the scoring server;
editing this copy changes nothing except your own understanding.
"""

import jax, jax.numpy as jnp
import numpy as np

N = 10000
E = 320000
D = 128
NUM_PT = 3
SIM_T = 0.5
DEG_T = 2.0


def setup_inputs(seed: int = 0) -> dict:
    key = jax.random.key(seed)
    ks = jax.random.split(key, 10)
    x = jax.random.normal(ks[0], (N, D), dtype=jnp.float32)
    edge_index = jax.random.randint(ks[1], (2, E), 0, N, dtype=jnp.int32)
    glorot = float(np.sqrt(6.0 / (1 + D)))
    prompt_sim_pt = jax.random.uniform(ks[2], (1, D), dtype=jnp.float32, minval=-glorot, maxval=glorot)
    prompt_degree_pt = jax.random.uniform(ks[3], (1, D), dtype=jnp.float32, minval=-glorot, maxval=glorot)
    prompt_other_pt = jax.random.uniform(ks[4], (1, D), dtype=jnp.float32, minval=-glorot, maxval=glorot)
    readout_token = jax.random.uniform(ks[5], (1, 1, D), dtype=jnp.float32, minval=-glorot, maxval=glorot)
    s = float(1.0 / np.sqrt(D))
    in_proj_w = jax.random.uniform(ks[6], (3 * D, D), dtype=jnp.float32, minval=-s, maxval=s)
    in_proj_b = jnp.zeros((3 * D,), dtype=jnp.float32)
    out_proj_w = jax.random.uniform(ks[7], (D, D), dtype=jnp.float32, minval=-s, maxval=s)
    out_proj_b = jnp.zeros((D,), dtype=jnp.float32)
    return {
        'x': x,
        'edge_index': edge_index,
        'prompt_sim_pt': prompt_sim_pt,
        'prompt_degree_pt': prompt_degree_pt,
        'prompt_other_pt': prompt_other_pt,
        'readout_token': readout_token,
        'in_proj_w': in_proj_w,
        'in_proj_b': in_proj_b,
        'out_proj_w': out_proj_w,
        'out_proj_b': out_proj_b,
    }


def reference(x, edge_index, prompt_sim_pt, prompt_degree_pt, prompt_other_pt, readout_token, in_proj_w, in_proj_b, out_proj_w, out_proj_b):
    n, d = x.shape
    row, col = edge_index[0], edge_index[1]
    # masks are index-selection logic in the original (torch.nonzero); non-differentiable
    xs = jax.lax.stop_gradient(x)
    # sim_pt: per-node mean neighbor cosine similarity
    x_norm = xs / jnp.sqrt(jnp.sum(xs * xs, axis=1, keepdims=True))
    e = jnp.sum(x_norm[row] * x_norm[col], axis=1)
    c = jnp.zeros((n,), dtype=x.dtype).at[col].add(e)
    deg = jnp.zeros((n,), dtype=x.dtype).at[col].add(1.0)
    csim = c / deg
    sim_mask = csim <= SIM_T
    # degree_pt
    deg_mask = deg <= DEG_T
    # other_pt = 'all' nodes not covered by any other prompt
    other_mask = jnp.logical_not(jnp.logical_or(sim_mask, deg_mask))
    # g_mutiftpt_record rows: scatter the prompt vector into selected node rows
    rec_sim = jnp.where(sim_mask[:, None], prompt_sim_pt, jnp.zeros((), x.dtype))
    rec_deg = jnp.where(deg_mask[:, None], prompt_degree_pt, jnp.zeros((), x.dtype))
    rec_other = jnp.where(other_mask[:, None], prompt_other_pt, jnp.zeros((), x.dtype))
    tokens = jnp.stack([rec_sim, rec_deg, rec_other], axis=1)  # [N, NUM_PT, D]
    # attention readout over prompt tokens (MultiheadAttention, 1 head, batch_first)
    readout = jnp.broadcast_to(readout_token.reshape(1, 1, d), (n, 1, d))
    seq = jnp.concatenate([readout, tokens], axis=1)  # [N, 1+NUM_PT, D]
    qkv = seq @ in_proj_w.T + in_proj_b
    q, k, v = qkv[..., :d], qkv[..., d:2 * d], qkv[..., 2 * d:]
    scores = jnp.einsum('nqd,nkd->nqk', q, k) / np.sqrt(d)
    attn = jax.nn.softmax(scores, axis=-1)
    ctx = jnp.einsum('nqk,nkd->nqd', attn, v)
    out = ctx @ out_proj_w.T + out_proj_b
    prompt = out[:, 0, :]
    return x + prompt


if False:  # reference __main__ guard neutralized (emitter)
    inp = setup_inputs()
    y = reference(**inp)
    print(y.shape, y.dtype)

if __name__ == "__main__":
    import jax
    _d = setup_inputs()
    print(jax.jit(kernel)(*tuple(_d.values())))

</pallas_src>

<mosaic_0001>
#map = affine_map<(d0, d1) -> (0, 0)>
#map1 = affine_map<(d0, d1) -> (0)>
module attributes {stable_mosaic.version = 14 : i64} {
  func.func @_sc_edge_body(%arg0: i32, %arg1: i32, %arg2: memref<10000x128xf32, #tpu.memory_space<hbm>>, %arg3: memref<320000xi32, #tpu.memory_space<hbm>>, %arg4: memref<320000xi32, #tpu.memory_space<hbm>>, %arg5: memref<32x10000xf32, #tpu.memory_space<hbm>>, %arg6: memref<32x10000xf32, #tpu.memory_space<hbm>>, %arg7: memref<80xi32, #tpu.memory_space<vmem>>, %arg8: memref<80xi32, #tpu.memory_space<vmem>>, %arg9: memref<80x128xf32, #tpu.memory_space<vmem>>, %arg10: memref<80x128xf32, #tpu.memory_space<vmem>>, %arg11: memref<10000xf32, #tpu.memory_space<vmem>>, %arg12: memref<10000xf32, #tpu.memory_space<vmem>>, %arg13: memref<!tpu.dma_semaphore, #tpu.memory_space<semaphore_mem>>, %arg14: memref<!tpu.dma_semaphore, #tpu.memory_space<semaphore_mem>>) attributes {dimension_semantics = [#tpu.dimension_semantics<core_parallel>, #tpu.dimension_semantics<subcore_parallel>], iteration_bounds = array<i64: 2, 16>, scalar_prefetch = 0 : i64, scratch_operands = 8 : i64, tpu.core_type = #tpu.core_type<sc_vector_subcore>, window_params = [{transform_indices = #map}, {transform_indices = #map1}, {transform_indices = #map1}, {transform_indices = #map}, {transform_indices = #map}]} {
    %mul3A = arith.constant 2 : i32
    %mul3A_0 = arith.muli %arg1, %mul3A : i32
    %add3A = arith.addi %mul3A_0, %arg0 : i32
    %mul3A_1 = arith.constant 10000 : i32
    %mul3A_2 = arith.muli %add3A, %mul3A_1 : i32
    %broadcast_in_dim3A = arith.constant 0.000000e+00 : f32
    %broadcast_in_dim3A_3 = vector.broadcast %broadcast_in_dim3A : f32 to vector<16xf32>
    %broadcast_in_dim3A_4 = arith.constant 1.000000e+00 : f32
    %broadcast_in_dim3A_5 = vector.broadcast %broadcast_in_dim3A_4 : f32 to vector<16xf32>
    %iota3A = tpu.iota {dimensions = array<i32: 0>} : vector<16xi32>
    %scan3A = arith.constant 0 : i32
    %scan3A_6 = arith.constant 0 : i32
    %scan3A_7 = arith.constant 625 : i32
    %scan3A_8 = arith.addi %scan3A_6, %scan3A_7 : i32
    %scan3A_9 = arith.constant 1 : i32
    scf.for %scan3A_17 = %scan3A_6 to %scan3A_8 step %scan3A_9  : i32 {
      %mul3A_18 = arith.constant 16 : i32
      %mul3A_19 = arith.muli %scan3A_17, %mul3A_18 : i32
      %swap3A = arith.index_cast %mul3A_19 : i32 to index
      %swap3A_20 = tpu.vector_load %arg11[%swap3A] {strides = array<i32>} : memref<10000xf32, #tpu.memory_space<vmem>>, vector<16xf32>,
      tpu.vector_store %arg11[%swap3A], %broadcast_in_dim3A_3 {strides = array<i32>} : memref<10000xf32, #tpu.memory_space<vmem>>, vector<16xf32>,
      %mul3A_21 = arith.constant 16 : i32
      %mul3A_22 = arith.muli %scan3A_17, %mul3A_21 : i32
      %swap3A_23 = arith.index_cast %mul3A_22 : i32 to index
      %swap3A_24 = tpu.vector_load %arg12[%swap3A_23] {strides = array<i32>} : memref<10000xf32, #tpu.memory_space<vmem>>, vector<16xf32>,
      tpu.vector_store %arg12[%swap3A_23], %broadcast_in_dim3A_3 {strides = array<i32>} : memref<10000xf32, #tpu.memory_space<vmem>>, vector<16xf32>,
    }
    %scan3A_10 = arith.constant 625 : i32
    %scan3A_11 = arith.constant 0 : i32
    %scan3A_12 = arith.constant 0 : i32
    %scan3A_13 = arith.constant 125 : i32
    %scan3A_14 = arith.addi %scan3A_12, %scan3A_13 : i32
    %scan3A_15 = arith.constant 1 : i32
    scf.for %scan3A_17 = %scan3A_12 to %scan3A_14 step %scan3A_15  : i32 {
      %mul3A_18 = arith.constant 80 : i32
      %mul3A_19 = arith.muli %scan3A_17, %mul3A_18 : i32
      %add3A_20 = arith.addi %mul3A_2, %mul3A_19 : i32
      "tpu.region"() ({
        %run_scoped3A = tpu.sem_alloc : memref<!tpu.dma_semaphore, #tpu.memory_space<semaphore_mem>>
        %dma_start3A_85 = tpu.memref_slice %arg3[%add3A_20] : memref<320000xi32, #tpu.memory_space<hbm>> -> memref<80xi32, #tpu.memory_space<hbm>>
        %dma_start3A_86 = tpu.memref_slice %arg3[%add3A_20] : memref<320000xi32, #tpu.memory_space<hbm>> -> memref<80xi32, #tpu.memory_space<hbm>>
        tpu.enqueue_dma source(%dma_start3A_86 : memref<80xi32, #tpu.memory_space<hbm>>) target(%arg7 : memref<80xi32, #tpu.memory_space<vmem>>) target_semaphore(%run_scoped3A : memref<!tpu.dma_semaphore, #tpu.memory_space<semaphore_mem>>)
        %dma_wait3A_87 = tpu.memref_slice %arg3[%add3A_20] : memref<320000xi32, #tpu.memory_space<hbm>> -> memref<80xi32, #tpu.memory_space<hbm>>
        %dma_wait3A_88 = tpu.memref_slice %arg3[%add3A_20] : memref<320000xi32, #tpu.memory_space<hbm>> -> memref<80xi32, #tpu.memory_space<hbm>>
        tpu.wait_dma2 semaphore(%run_scoped3A : memref<!tpu.dma_semaphore, #tpu.memory_space<semaphore_mem>>) src(%dma_wait3A_88 : memref<80xi32, #tpu.memory_space<hbm>>) dst(%arg7 : memref<80xi32, #tpu.memory_space<vmem>>)
        tpu.yield
      }) : () -> ()
      "tpu.region"() ({
        %run_scoped3A = tpu.sem_alloc : memref<!tpu.dma_semaphore, #tpu.memory_space<semaphore_mem>>
        %dma_start3A_85 = tpu.memref_slice %arg4[%add3A_20] : memref<320000xi32, #tpu.memory_space<hbm>> -> memref<80xi32, #tpu.memory_space<hbm>>
        %dma_start3A_86 = tpu.memref_slice %arg4[%add3A_20] : memref<320000xi32, #tpu.memory_space<hbm>> -> memref<80xi32, #tpu.memory_space<hbm>>
        tpu.enqueue_dma source(%dma_start3A_86 : memref<80xi32, #tpu.memory_space<hbm>>) target(%arg8 : memref<80xi32, #tpu.memory_space<vmem>>) target_semaphore(%run_scoped3A : memref<!tpu.dma_semaphore, #tpu.memory_space<semaphore_mem>>)
        %dma_wait3A_87 = tpu.memref_slice %arg4[%add3A_20] : memref<320000xi32, #tpu.memory_space<hbm>> -> memref<80xi32, #tpu.memory_space<hbm>>
        %dma_wait3A_88 = tpu.memref_slice %arg4[%add3A_20] : memref<320000xi32, #tpu.memory_space<hbm>> -> memref<80xi32, #tpu.memory_space<hbm>>
        tpu.wait_dma2 semaphore(%run_scoped3A : memref<!tpu.dma_semaphore, #tpu.memory_space<semaphore_mem>>) src(%dma_wait3A_88 : memref<80xi32, #tpu.memory_space<hbm>>) dst(%arg8 : memref<80xi32, #tpu.memory_space<vmem>>)
        tpu.yield
      }) : () -> ()
      %dma_start3A = arith.constant 0 : i32
      %dma_start3A_21 = arith.constant 0 : i32
      %dma_start3A_22 = tpu.memref_slice %arg2[%dma_start3A, %dma_start3A_21] : memref<10000x128xf32, #tpu.memory_space<hbm>> -> memref<10000x128xf32, #tpu.memory_space<hbm>>
      tpu.enqueue_indirect_dma source(%dma_start3A_22 : memref<10000x128xf32, #tpu.memory_space<hbm>>) target(%arg9 : memref<80x128xf32, #tpu.memory_space<vmem>>) offsets(%arg7 : memref<80xi32, #tpu.memory_space<vmem>>) semaphore(%arg13 : memref<!tpu.dma_semaphore, #tpu.memory_space<semaphore_mem>>)
      %dma_start3A_23 = arith.constant 0 : i32
      %dma_start3A_24 = arith.constant 0 : i32
      %dma_start3A_25 = tpu.memref_slice %arg2[%dma_start3A_23, %dma_start3A_24] : memref<10000x128xf32, #tpu.memory_space<hbm>> -> memref<10000x128xf32, #tpu.memory_space<hbm>>
      tpu.enqueue_indirect_dma source(%dma_start3A_25 : memref<10000x128xf32, #tpu.memory_space<hbm>>) target(%arg10 : memref<80x128xf32, #tpu.memory_space<vmem>>) offsets(%arg8 : memref<80xi32, #tpu.memory_space<vmem>>) semaphore(%arg14 : memref<!tpu.dma_semaphore, #tpu.memory_space<semaphore_mem>>)
      %dma_wait3A = arith.constant 0 : i32
      %dma_wait3A_26 = arith.constant 0 : i32
      %dma_wait3A_27 = tpu.memref_slice %arg2[%dma_wait3A, %dma_wait3A_26] : memref<10000x128xf32, #tpu.memory_space<hbm>> -> memref<10000x128xf32, #tpu.memory_space<hbm>>
      tpu.wait_indirect_dma semaphore(%arg13 : memref<!tpu.dma_semaphore, #tpu.memory_space<semaphore_mem>>) src(%dma_wait3A_27 : memref<10000x128xf32, #tpu.memory_space<hbm>>) dst(%arg9 : memref<80x128xf32, #tpu.memory_space<vmem>>)
      %dma_wait3A_28 = arith.constant 0 : i32
      %dma_wait3A_29 = arith.constant 0 : i32
      %dma_wait3A_30 = tpu.memref_slice %arg2[%dma_wait3A_28, %dma_wait3A_29] : memref<10000x128xf32, #tpu.memory_space<hbm>> -> memref<10000x128xf32, #tpu.memory_space<hbm>>
      tpu.wait_indirect_dma semaphore(%arg14 : memref<!tpu.dma_semaphore, #tpu.memory_space<semaphore_mem>>) src(%dma_wait3A_30 : memref<10000x128xf32, #tpu.memory_space<hbm>>) dst(%arg10 : memref<80x128xf32, #tpu.memory_space<vmem>>)
      %add3A_31 = arith.constant 0 : i32
      %add3A_32 = vector.broadcast %add3A_31 : i32 to vector<16xi32>
      %add3A_33 = arith.addi %iota3A, %add3A_32 : vector<16xi32>
      %scan3A_34 = arith.constant 0 : i32
      %scan3A_35 = arith.constant 16 : i32
      %scan3A_36 = arith.addi %scan3A_34, %scan3A_35 : i32
      %scan3A_37 = arith.constant 1 : i32
      %scan3A_38 = scf.for %scan3A_85 = %scan3A_34 to %scan3A_36 step %scan3A_37 iter_args(%scan3A_86 = %broadcast_in_dim3A_3) -> (vector<16xf32>)  : i32 {
        %mul3A_87 = arith.constant 8 : i32
        %mul3A_88 = arith.muli %scan3A_85, %mul3A_87 : i32
        %add3A_89 = arith.constant 0 : i32
        %add3A_90 = arith.addi %mul3A_88, %add3A_89 : i32
        %broadcast_in_dim3A_91 = vector.broadcast %add3A_90 : i32 to vector<16xi32>
        %gather3A = tpu.vector_load_idx %arg9[%add3A_33, %broadcast_in_dim3A_91] : memref<80x128xf32, #tpu.memory_space<vmem>>[vector<16xi32>, vector<16xi32>], vector<16xf32>,
        %gather3A_92 = tpu.vector_load_idx %arg10[%add3A_33, %broadcast_in_dim3A_91] : memref<80x128xf32, #tpu.memory_space<vmem>>[vector<16xi32>, vector<16xi32>], vector<16xf32>,
        %mul3A_93 = arith.mulf %gather3A, %gather3A_92 : vector<16xf32>
        %add3A_94 = arith.addf %scan3A_86, %mul3A_93 : vector<16xf32>
        %mul3A_95 = arith.constant 8 : i32
        %mul3A_96 = arith.muli %scan3A_85, %mul3A_95 : i32
        %add3A_97 = arith.constant 1 : i32
        %add3A_98 = arith.addi %mul3A_96, %add3A_97 : i32
        %broadcast_in_dim3A_99 = vector.broadcast %add3A_98 : i32 to vector<16xi32>
        %gather3A_100 = tpu.vector_load_idx %arg9[%add3A_33, %broadcast_in_dim3A_99] : memref<80x128xf32, #tpu.memory_space<vmem>>[vector<16xi32>, vector<16xi32>], vector<16xf32>,
        %gather3A_101 = tpu.vector_load_idx %arg10[%add3A_33, %broadcast_in_dim3A_99] : memref<80x128xf32, #tpu.memory_space<vmem>>[vector<16xi32>, vector<16xi32>], vector<16xf32>,
        %mul3A_102 = arith.mulf %gather3A_100, %gather3A_101 : vector<16xf32>
        %add3A_103 = arith.addf %add3A_94, %mul3A_102 : vector<16xf32>
        %mul3A_104 = arith.constant 8 : i32
        %mul3A_105 = arith.muli %scan3A_85, %mul3A_104 : i32
        %add3A_106 = arith.constant 2 : i32
        %add3A_107 = arith.addi %mul3A_105, %add3A_106 : i32
        %broadcast_in_dim3A_108 = vector.broadcast %add3A_107 : i32 to vector<16xi32>
        %gather3A_109 = tpu.vector_load_idx %arg9[%add3A_33, %broadcast_in_dim3A_108] : memref<80x128xf32, #tpu.memory_space<vmem>>[vector<16xi32>, vector<16xi32>], vector<16xf32>,
        %gather3A_110 = tpu.vector_load_idx %arg10[%add3A_33, %broadcast_in_dim3A_108] : memref<80x128xf32, #tpu.memory_space<vmem>>[vector<16xi32>, vector<16xi32>], vector<16xf32>,
        %mul3A_111 = arith.mulf %gather3A_109, %gather3A_110 : vector<16xf32>
        %add3A_112 = arith.addf %add3A_103, %mul3A_111 : vector<16xf32>
        %mul3A_113 = arith.constant 8 : i32
        %mul3A_114 = arith.muli %scan3A_85, %mul3A_113 : i32
        %add3A_115 = arith.constant 3 : i32
        %add3A_116 = arith.addi %mul3A_114, %add3A_115 : i32
        %broadcast_in_dim3A_117 = vector.broadcast %add3A_116 : i32 to vector<16xi32>
        %gather3A_118 = tpu.vector_load_idx %arg9[%add3A_33, %broadcast_in_dim3A_117] : memref<80x128xf32, #tpu.memory_space<vmem>>[vector<16xi32>, vector<16xi32>], vector<16xf32>,
        %gather3A_119 = tpu.vector_load_idx %arg10[%add3A_33, %broadcast_in_dim3A_117] : memref<80x128xf32, #tpu.memory_space<vmem>>[vector<16xi32>, vector<16xi32>], vector<16xf32>,
        %mul3A_120 = arith.mulf %gather3A_118, %gather3A_119 : vector<16xf32>
        %add3A_121 = arith.addf %add3A_112, %mul3A_120 : vector<16xf32>
        %mul3A_122 = arith.constant 8 : i32
        %mul3A_123 = arith.muli %scan3A_85, %mul3A_122 : i32
        %add3A_124 = arith.constant 4 : i32
        %add3A_125 = arith.addi %mul3A_123, %add3A_124 : i32
        %broadcast_in_dim3A_126 = vector.broadcast %add3A_125 : i32 to vector<16xi32>
        %gather3A_127 = tpu.vector_load_idx %arg9[%add3A_33, %broadcast_in_dim3A_126] : memref<80x128xf32, #tpu.memory_space<vmem>>[vector<16xi32>, vector<16xi32>], vector<16xf32>,
        %gather3A_128 = tpu.vector_load_idx %arg10[%add3A_33, %broadcast_in_dim3A_126] : memref<80x128xf32, #tpu.memory_space<vmem>>[vector<16xi32>, vector<16xi32>], vector<16xf32>,
        %mul3A_129 = arith.mulf %gather3A_127, %gather3A_128 : vector<16xf32>
        %add3A_130 = arith.addf %add3A_121, %mul3A_129 : vector<16xf32>
        %mul3A_131 = arith.constant 8 : i32
        %mul3A_132 = arith.muli %scan3A_85, %mul3A_131 : i32
        %add3A_133 = arith.constant 5 : i32
        %add3A_134 = arith.addi %mul3A_132, %add3A_133 : i32
        %broadcast_in_dim3A_135 = vector.broadcast %add3A_134 : i32 to vector<16xi32>
        %gather3A_136 = tpu.vector_load_idx %arg9[%add3A_33, %broadcast_in_dim3A_135] : memref<80x128xf32, #tpu.memory_space<vmem>>[vector<16xi32>, vector<16xi32>], vector<16xf32>,
        %gather3A_137 = tpu.vector_load_idx %arg10[%add3A_33, %broadcast_in_dim3A_135] : memref<80x128xf32, #tpu.memory_space<vmem>>[vector<16xi32>, vector<16xi32>], vector<16xf32>,
        %mul3A_138 = arith.mulf %gather3A_136, %gather3A_137 : vector<16xf32>
        %add3A_139 = arith.addf %add3A_130, %mul3A_138 : vector<16xf32>
        %mul3A_140 = arith.constant 8 : i32
        %mul3A_141 = arith.muli %scan3A_85, %mul3A_140 : i32
        %add3A_142 = arith.constant 6 : i32
        %add3A_143 = arith.addi %mul3A_141, %add3A_142 : i32
        %broadcast_in_dim3A_144 = vector.broadcast %add3A_143 : i32 to vector<16xi32>
        %gather3A_145 = tpu.vector_load_idx %arg9[%add3A_33, %broadcast_in_dim3A_144] : memref<80x128xf32, #tpu.memory_space<vmem>>[vector<16xi32>, vector<16xi32>], vector<16xf32>,
        %gather3A_146 = tpu.vector_load_idx %arg10[%add3A_33, %broadcast_in_dim3A_144] : memref<80x128xf32, #tpu.memory_space<vmem>>[vector<16xi32>, vector<16xi32>], vector<16xf32>,
        %mul3A_147 = arith.mulf %gather3A_145, %gather3A_146 : vector<16xf32>
        %add3A_148 = arith.addf %add3A_139, %mul3A_147 : vector<16xf32>
        %mul3A_149 = arith.constant 8 : i32
        %mul3A_150 = arith.muli %scan3A_85, %mul3A_149 : i32
        %add3A_151 = arith.constant 7 : i32
        %add3A_152 = arith.addi %mul3A_150, %add3A_151 : i32
        %broadcast_in_dim3A_153 = vector.broadcast %add3A_152 : i32 to vector<16xi32>
        %gather3A_154 = tpu.vector_load_idx %arg9[%add3A_33, %broadcast_in_dim3A_153] : memref<80x128xf32, #tpu.memory_space<vmem>>[vector<16xi32>, vector<16xi32>], vector<16xf32>,
        %gather3A_155 = tpu.vector_load_idx %arg10[%add3A_33, %broadcast_in_dim3A_153] : memref<80x128xf32, #tpu.memory_space<vmem>>[vector<16xi32>, vector<16xi32>], vector<16xf32>,
        %mul3A_156 = arith.mulf %gather3A_154, %gather3A_155 : vector<16xf32>
        %add3A_157 = arith.addf %add3A_148, %mul3A_156 : vector<16xf32>
        scf.yield %add3A_157 : vector<16xf32>
      }
      %scan3A_39 = arith.constant 16 : i32
      %get3A = arith.constant 0 : index
      %get3A_40 = tpu.vector_load %arg8[%get3A] {strides = array<i32>} : memref<80xi32, #tpu.memory_space<vmem>>, vector<16xi32>,
      tpu.vector_store_idx %arg11[%get3A_40], %scan3A_38 {add = true} : memref<10000xf32, #tpu.memory_space<vmem>>[vector<16xi32>], vector<16xf32>,
      tpu.vector_store_idx %arg12[%get3A_40], %broadcast_in_dim3A_5 {add = true} : memref<10000xf32, #tpu.memory_space<vmem>>[vector<16xi32>], vector<16xf32>,
      %add3A_41 = arith.constant 16 : i32
      %add3A_42 = vector.broadcast %add3A_41 : i32 to vector<16xi32>
      %add3A_43 = arith.addi %iota3A, %add3A_42 : vector<16xi32>
      %scan3A_44 = arith.constant 0 : i32
      %scan3A_45 = arith.constant 16 : i32
      %scan3A_46 = arith.addi %scan3A_44, %scan3A_45 : i32
      %scan3A_47 = arith.constant 1 : i32
      %scan3A_48 = scf.for %scan3A_85 = %scan3A_44 to %scan3A_46 step %scan3A_47 iter_args(%scan3A_86 = %broadcast_in_dim3A_3) -> (vector<16xf32>)  : i32 {
        %mul3A_87 = arith.constant 8 : i32
        %mul3A_88 = arith.muli %scan3A_85, %mul3A_87 : i32
        %add3A_89 = arith.constant 0 : i32
        %add3A_90 = arith.addi %mul3A_88, %add3A_89 : i32
        %broadcast_in_dim3A_91 = vector.broadcast %add3A_90 : i32 to vector<16xi32>
        %gather3A = tpu.vector_load_idx %arg9[%add3A_43, %broadcast_in_dim3A_91] : memref<80x128xf32, #tpu.memory_space<vmem>>[vector<16xi32>, vector<16xi32>], vector<16xf32>,
        %gather3A_92 = tpu.vector_load_idx %arg10[%add3A_43, %broadcast_in_dim3A_91] : memref<80x128xf32, #tpu.memory_space<vmem>>[vector<16xi32>, vector<16xi32>], vector<16xf32>,
        %mul3A_93 = arith.mulf %gather3A, %gather3A_92 : vector<16xf32>
        %add3A_94 = arith.addf %scan3A_86, %mul3A_93 : vector<16xf32>
        %mul3A_95 = arith.constant 8 : i32
        %mul3A_96 = arith.muli %scan3A_85, %mul3A_95 : i32
        %add3A_97 = arith.constant 1 : i32
        %add3A_98 = arith.addi %mul3A_96, %add3A_97 : i32
        %broadcast_in_dim3A_99 = vector.broadcast %add3A_98 : i32 to vector<16xi32>
        %gather3A_100 = tpu.vector_load_idx %arg9[%add3A_43, %broadcast_in_dim3A_99] : memref<80x128xf32, #tpu.memory_space<vmem>>[vector<16xi32>, vector<16xi32>], vector<16xf32>,
        %gather3A_101 = tpu.vector_load_idx %arg10[%add3A_43, %broadcast_in_dim3A_99] : memref<80x128xf32, #tpu.memory_space<vmem>>[vector<16xi32>, vector<16xi32>], vector<16xf32>,
        %mul3A_102 = arith.mulf %gather3A_100, %gather3A_101 : vector<16xf32>
        %add3A_103 = arith.addf %add3A_94, %mul3A_102 : vector<16xf32>
        %mul3A_104 = arith.constant 8 : i32
        %mul3A_105 = arith.muli %scan3A_85, %mul3A_104 : i32
        %add3A_106 = arith.constant 2 : i32
        %add3A_107 = arith.addi %mul3A_105, %add3A_106 : i32
        %broadcast_in_dim3A_108 = vector.broadcast %add3A_107 : i32 to vector<16xi32>
        %gather3A_109 = tpu.vector_load_idx %arg9[%add3A_43, %broadcast_in_dim3A_108] : memref<80x128xf32, #tpu.memory_space<vmem>>[vector<16xi32>, vector<16xi32>], vector<16xf32>,
        %gather3A_110 = tpu.vector_load_idx %arg10[%add3A_43, %broadcast_in_dim3A_108] : memref<80x128xf32, #tpu.memory_space<vmem>>[vector<16xi32>, vector<16xi32>], vector<16xf32>,
        %mul3A_111 = arith.mulf %gather3A_109, %gather3A_110 : vector<16xf32>
        %add3A_112 = arith.addf %add3A_103, %mul3A_111 : vector<16xf32>
        %mul3A_113 = arith.constant 8 : i32
        %mul3A_114 = arith.muli %scan3A_85, %mul3A_113 : i32
        %add3A_115 = arith.constant 3 : i32
        %add3A_116 = arith.addi %mul3A_114, %add3A_115 : i32
        %broadcast_in_dim3A_117 = vector.broadcast %add3A_116 : i32 to vector<16xi32>
        %gather3A_118 = tpu.vector_load_idx %arg9[%add3A_43, %broadcast_in_dim3A_117] : memref<80x128xf32, #tpu.memory_space<vmem>>[vector<16xi32>, vector<16xi32>], vector<16xf32>,
        %gather3A_119 = tpu.vector_load_idx %arg10[%add3A_43, %broadcast_in_dim3A_117] : memref<80x128xf32, #tpu.memory_space<vmem>>[vector<16xi32>, vector<16xi32>], vector<16xf32>,
        %mul3A_120 = arith.mulf %gather3A_118, %gather3A_119 : vector<16xf32>
        %add3A_121 = arith.addf %add3A_112, %mul3A_120 : vector<16xf32>
        %mul3A_122 = arith.constant 8 : i32
        %mul3A_123 = arith.muli %scan3A_85, %mul3A_122 : i32
        %add3A_124 = arith.constant 4 : i32
        %add3A_125 = arith.addi %mul3A_123, %add3A_124 : i32
        %broadcast_in_dim3A_126 = vector.broadcast %add3A_125 : i32 to vector<16xi32>
        %gather3A_127 = tpu.vector_load_idx %arg9[%add3A_43, %broadcast_in_dim3A_126] : memref<80x128xf32, #tpu.memory_space<vmem>>[vector<16xi32>, vector<16xi32>], vector<16xf32>,
        %gather3A_128 = tpu.vector_load_idx %arg10[%add3A_43, %broadcast_in_dim3A_126] : memref<80x128xf32, #tpu.memory_space<vmem>>[vector<16xi32>, vector<16xi32>], vector<16xf32>,
        %mul3A_129 = arith.mulf %gather3A_127, %gather3A_128 : vector<16xf32>
        %add3A_130 = arith.addf %add3A_121, %mul3A_129 : vector<16xf32>
        %mul3A_131 = arith.constant 8 : i32
        %mul3A_132 = arith.muli %scan3A_85, %mul3A_131 : i32
        %add3A_133 = arith.constant 5 : i32
        %add3A_134 = arith.addi %mul3A_132, %add3A_133 : i32
        %broadcast_in_dim3A_135 = vector.broadcast %add3A_134 : i32 to vector<16xi32>
        %gather3A_136 = tpu.vector_load_idx %arg9[%add3A_43, %broadcast_in_dim3A_135] : memref<80x128xf32, #tpu.memory_space<vmem>>[vector<16xi32>, vector<16xi32>], vector<16xf32>,
        %gather3A_137 = tpu.vector_load_idx %arg10[%add3A_43, %broadcast_in_dim3A_135] : memref<80x128xf32, #tpu.memory_space<vmem>>[vector<16xi32>, vector<16xi32>], vector<16xf32>,
        %mul3A_138 = arith.mulf %gather3A_136, %gather3A_137 : vector<16xf32>
        %add3A_139 = arith.addf %add3A_130, %mul3A_138 : vector<16xf32>
        %mul3A_140 = arith.constant 8 : i32
        %mul3A_141 = arith.muli %scan3A_85, %mul3A_140 : i32
        %add3A_142 = arith.constant 6 : i32
        %add3A_143 = arith.addi %mul3A_141, %add3A_142 : i32
        %broadcast_in_dim3A_144 = vector.broadcast %add3A_143 : i32 to vector<16xi32>
        %gather3A_145 = tpu.vector_load_idx %arg9[%add3A_43, %broadcast_in_dim3A_144] : memref<80x128xf32, #tpu.memory_space<vmem>>[vector<16xi32>, vector<16xi32>], vector<16xf32>,
        %gather3A_146 = tpu.vector_load_idx %arg10[%add3A_43, %broadcast_in_dim3A_144] : memref<80x128xf32, #tpu.memory_space<vmem>>[vector<16xi32>, vector<16xi32>], vector<16xf32>,
        %mul3A_147 = arith.mulf %gather3A_145, %gather3A_146 : vector<16xf32>
        %add3A_148 = arith.addf %add3A_139, %mul3A_147 : vector<16xf32>
        %mul3A_149 = arith.constant 8 : i32
        %mul3A_150 = arith.muli %scan3A_85, %mul3A_149 : i32
        %add3A_151 = arith.constant 7 : i32
        %add3A_152 = arith.addi %mul3A_150, %add3A_151 : i32
        %broadcast_in_dim3A_153 = vector.broadcast %add3A_152 : i32 to vector<16xi32>
        %gather3A_154 = tpu.vector_load_idx %arg9[%add3A_43, %broadcast_in_dim3A_153] : memref<80x128xf32, #tpu.memory_space<vmem>>[vector<16xi32>, vector<16xi32>], vector<16xf32>,
        %gather3A_155 = tpu.vector_load_idx %arg10[%add3A_43, %broadcast_in_dim3A_153] : memref<80x128xf32, #tpu.memory_space<vmem>>[vector<16xi32>, vector<16xi32>], vector<16xf32>,
        %mul3A_156 = arith.mulf %gather3A_154, %gather3A_155 : vector<16xf32>
        %add3A_157 = arith.addf %add3A_148, %mul3A_156 : vector<16xf32>
        scf.yield %add3A_157 : vector<16xf32>
      }
      %scan3A_49 = arith.constant 16 : i32
      %get3A_50 = arith.constant 16 : index
      %get3A_51 = tpu.vector_load %arg8[%get3A_50] {strides = array<i32>} : memref<80xi32, #tpu.memory_space<vmem>>, vector<16xi32>,
      tpu.vector_store_idx %arg11[%get3A_51], %scan3A_48 {add = true} : memref<10000xf32, #tpu.memory_space<vmem>>[vector<16xi32>], vector<16xf32>,
      tpu.vector_store_idx %arg12[%get3A_51], %broadcast_in_dim3A_5 {add = true} : memref<10000xf32, #tpu.memory_space<vmem>>[vector<16xi32>], vector<16xf32>,
      %add3A_52 = arith.constant 32 : i32
      %add3A_53 = vector.broadcast %add3A_52 : i32 to vector<16xi32>
      %add3A_54 = arith.addi %iota3A, %add3A_53 : vector<16xi32>
      %scan3A_55 = arith.constant 0 : i32
      %scan3A_56 = arith.constant 16 : i32
      %scan3A_57 = arith.addi %scan3A_55, %scan3A_56 : i32
      %scan3A_58 = arith.constant 1 : i32
      %scan3A_59 = scf.for %scan3A_85 = %scan3A_55 to %scan3A_57 step %scan3A_58 iter_args(%scan3A_86 = %broadcast_in_dim3A_3) -> (vector<16xf32>)  : i32 {
        %mul3A_87 = arith.constant 8 : i32
        %mul3A_88 = arith.muli %scan3A_85, %mul3A_87 : i32
        %add3A_89 = arith.constant 0 : i32
        %add3A_90 = arith.addi %mul3A_88, %add3A_89 : i32
        %broadcast_in_dim3A_91 = vector.broadcast %add3A_90 : i32 to vector<16xi32>
        %gather3A = tpu.vector_load_idx %arg9[%add3A_54, %broadcast_in_dim3A_91] : memref<80x128xf32, #tpu.memory_space<vmem>>[vector<16xi32>, vector<16xi32>], vector<16xf32>,
        %gather3A_92 = tpu.vector_load_idx %arg10[%add3A_54, %broadcast_in_dim3A_91] : memref<80x128xf32, #tpu.memory_space<vmem>>[vector<16xi32>, vector<16xi32>], vector<16xf32>,
        %mul3A_93 = arith.mulf %gather3A, %gather3A_92 : vector<16xf32>
        %add3A_94 = arith.addf %scan3A_86, %mul3A_93 : vector<16xf32>
        %mul3A_95 = arith.constant 8 : i32
        %mul3A_96 = arith.muli %scan3A_85, %mul3A_95 : i32
        %add3A_97 = arith.constant 1 : i32
        %add3A_98 = arith.addi %mul3A_96, %add3A_97 : i32
        %broadcast_in_dim3A_99 = vector.broadcast %add3A_98 : i32 to vector<16xi32>
        %gather3A_100 = tpu.vector_load_idx %arg9[%add3A_54, %broadcast_in_dim3A_99] : memref<80x128xf32, #tpu.memory_space<vmem>>[vector<16xi32>, vector<16xi32>], vector<16xf32>,
        %gather3A_101 = tpu.vector_load_idx %arg10[%add3A_54, %broadcast_in_dim3A_99] : memref<80x128xf32, #tpu.memory_space<vmem>>[vector<16xi32>, vector<16xi32>], vector<16xf32>,
        %mul3A_102 = arith.mulf %gather3A_100, %gather3A_101 : vector<16xf32>
        %add3A_103 = arith.addf %add3A_94, %mul3A_102 : vector<16xf32>
        %mul3A_104 = arith.constant 8 : i32
        %mul3A_105 = arith.muli %scan3A_85, %mul3A_104 : i32
        %add3A_106 = arith.constant 2 : i32
        %add3A_107 = arith.addi %mul3A_105, %add3A_106 : i32
        %broadcast_in_dim3A_108 = vector.broadcast %add3A_107 : i32 to vector<16xi32>
        %gather3A_109 = tpu.vector_load_idx %arg9[%add3A_54, %broadcast_in_dim3A_108] : memref<80x128xf32, #tpu.memory_space<vmem>>[vector<16xi32>, vector<16xi32>], vector<16xf32>,
        %gather3A_110 = tpu.vector_load_idx %arg10[%add3A_54, %broadcast_in_dim3A_108] : memref<80x128xf32, #tpu.memory_space<vmem>>[vector<16xi32>, vector<16xi32>], vector<16xf32>,
        %mul3A_111 = arith.mulf %gather3A_109, %gather3A_110 : vector<16xf32>
        %add3A_112 = arith.addf %add3A_103, %mul3A_111 : vector<16xf32>
        %mul3A_113 = arith.constant 8 : i32
        %mul3A_114 = arith.muli %scan3A_85, %mul3A_113 : i32
        %add3A_115 = arith.constant 3 : i32
        %add3A_116 = arith.addi %mul3A_114, %add3A_115 : i32
        %broadcast_in_dim3A_117 = vector.broadcast %add3A_116 : i32 to vector<16xi32>
        %gather3A_118 = tpu.vector_load_idx %arg9[%add3A_54, %broadcast_in_dim3A_117] : memref<80x128xf32, #tpu.memory_space<vmem>>[vector<16xi32>, vector<16xi32>], vector<16xf32>,
        %gather3A_119 = tpu.vector_load_idx %arg10[%add3A_54, %broadcast_in_dim3A_117] : memref<80x128xf32, #tpu.memory_space<vmem>>[vector<16xi32>, vector<16xi32>], vector<16xf32>,
        %mul3A_120 = arith.mulf %gather3A_118, %gather3A_119 : vector<16xf32>
        %add3A_121 = arith.addf %add3A_112, %mul3A_120 : vector<16xf32>
        %mul3A_122 = arith.constant 8 : i32
        %mul3A_123 = arith.muli %scan3A_85, %mul3A_122 : i32
        %add3A_124 = arith.constant 4 : i32
        %add3A_125 = arith.addi %mul3A_123, %add3A_124 : i32
        %broadcast_in_dim3A_126 = vector.broadcast %add3A_125 : i32 to vector<16xi32>
        %gather3A_127 = tpu.vector_load_idx %arg9[%add3A_54, %broadcast_in_dim3A_126] : memref<80x128xf32, #tpu.memory_space<vmem>>[vector<16xi32>, vector<16xi32>], vector<16xf32>,
        %gather3A_128 = tpu.vector_load_idx %arg10[%add3A_54, %broadcast_in_dim3A_126] : memref<80x128xf32, #tpu.memory_space<vmem>>[vector<16xi32>, vector<16xi32>], vector<16xf32>,
        %mul3A_129 = arith.mulf %gather3A_127, %gather3A_128 : vector<16xf32>
        %add3A_130 = arith.addf %add3A_121, %mul3A_129 : vector<16xf32>
        %mul3A_131 = arith.constant 8 : i32
        %mul3A_132 = arith.muli %scan3A_85, %mul3A_131 : i32
        %add3A_133 = arith.constant 5 : i32
        %add3A_134 = arith.addi %mul3A_132, %add3A_133 : i32
        %broadcast_in_dim3A_135 = vector.broadcast %add3A_134 : i32 to vector<16xi32>
        %gather3A_136 = tpu.vector_load_idx %arg9[%add3A_54, %broadcast_in_dim3A_135] : memref<80x128xf32, #tpu.memory_space<vmem>>[vector<16xi32>, vector<16xi32>], vector<16xf32>,
        %gather3A_137 = tpu.vector_load_idx %arg10[%add3A_54, %broadcast_in_dim3A_135] : memref<80x128xf32, #tpu.memory_space<vmem>>[vector<16xi32>, vector<16xi32>], vector<16xf32>,
        %mul3A_138 = arith.mulf %gather3A_136, %gather3A_137 : vector<16xf32>
        %add3A_139 = arith.addf %add3A_130, %mul3A_138 : vector<16xf32>
        %mul3A_140 = arith.constant 8 : i32
        %mul3A_141 = arith.muli %scan3A_85, %mul3A_140 : i32
        %add3A_142 = arith.constant 6 : i32
        %add3A_143 = arith.addi %mul3A_141, %add3A_142 : i32
        %broadcast_in_dim3A_144 = vector.broadcast %add3A_143 : i32 to vector<16xi32>
        %gather3A_145 = tpu.vector_load_idx %arg9[%add3A_54, %broadcast_in_dim3A_144] : memref<80x128xf32, #tpu.memory_space<vmem>>[vector<16xi32>, vector<16xi32>], vector<16xf32>,
        %gather3A_146 = tpu.vector_load_idx %arg10[%add3A_54, %broadcast_in_dim3A_144] : memref<80x128xf32, #tpu.memory_space<vmem>>[vector<16xi32>, vector<16xi32>], vector<16xf32>,
        %mul3A_147 = arith.mulf %gather3A_145, %gather3A_146 : vector<16xf32>
        %add3A_148 = arith.addf %add3A_139, %mul3A_147 : vector<16xf32>
        %mul3A_149 = arith.constant 8 : i32
        %mul3A_150 = arith.muli %scan3A_85, %mul3A_149 : i32
        %add3A_151 = arith.constant 7 : i32
        %add3A_152 = arith.addi %mul3A_150, %add3A_151 : i32
        %broadcast_in_dim3A_153 = vector.broadcast %add3A_152 : i32 to vector<16xi32>
        %gather3A_154 = tpu.vector_load_idx %arg9[%add3A_54, %broadcast_in_dim3A_153] : memref<80x128xf32, #tpu.memory_space<vmem>>[vector<16xi32>, vector<16xi32>], vector<16xf32>,
        %gather3A_155 = tpu.vector_load_idx %arg10[%add3A_54, %broadcast_in_dim3A_153] : memref<80x128xf32, #tpu.memory_space<vmem>>[vector<16xi32>, vector<16xi32>], vector<16xf32>,
        %mul3A_156 = arith.mulf %gather3A_154, %gather3A_155 : vector<16xf32>
        %add3A_157 = arith.addf %add3A_148, %mul3A_156 : vector<16xf32>
        scf.yield %add3A_157 : vector<16xf32>
      }
      %scan3A_60 = arith.constant 16 : i32
      %get3A_61 = arith.constant 32 : index
      %get3A_62 = tpu.vector_load %arg8[%get3A_61] {strides = array<i32>} : memref<80xi32, #tpu.memory_space<vmem>>, vector<16xi32>,
      tpu.vector_store_idx %arg11[%get3A_62], %scan3A_59 {add = true} : memref<10000xf32, #tpu.memory_space<vmem>>[vector<16xi32>], vector<16xf32>,
      tpu.vector_store_idx %arg12[%get3A_62], %broadcast_in_dim3A_5 {add = true} : memref<10000xf32, #tpu.memory_space<vmem>>[vector<16xi32>], vector<16xf32>,
      %add3A_63 = arith.constant 48 : i32
      %add3A_64 = vector.broadcast %add3A_63 : i32 to vector<16xi32>
      %add3A_65 = arith.addi %iota3A, %add3A_64 : vector<16xi32>
      %scan3A_66 = arith.constant 0 : i32
      %scan3A_67 = arith.constant 16 : i32
      %scan3A_68 = arith.addi %scan3A_66, %scan3A_67 : i32
      %scan3A_69 = arith.constant 1 : i32
      %scan3A_70 = scf.for %scan3A_85 = %scan3A_66 to %scan3A_68 step %scan3A_69 iter_args(%scan3A_86 = %broadcast_in_dim3A_3) -> (vector<16xf32>)  : i32 {
        %mul3A_87 = arith.constant 8 : i32
        %mul3A_88 = arith.muli %scan3A_85, %mul3A_87 : i32
        %add3A_89 = arith.constant 0 : i32
        %add3A_90 = arith.addi %mul3A_88, %add3A_89 : i32
        %broadcast_in_dim3A_91 = vector.broadcast %add3A_90 : i32 to vector<16xi32>
        %gather3A = tpu.vector_load_idx %arg9[%add3A_65, %broadcast_in_dim3A_91] : memref<80x128xf32, #tpu.memory_space<vmem>>[vector<16xi32>, vector<16xi32>], vector<16xf32>,
        %gather3A_92 = tpu.vector_load_idx %arg10[%add3A_65, %broadcast_in_dim3A_91] : memref<80x128xf32, #tpu.memory_space<vmem>>[vector<16xi32>, vector<16xi32>], vector<16xf32>,
        %mul3A_93 = arith.mulf %gather3A, %gather3A_92 : vector<16xf32>
        %add3A_94 = arith.addf %scan3A_86, %mul3A_93 : vector<16xf32>
        %mul3A_95 = arith.constant 8 : i32
        %mul3A_96 = arith.muli %scan3A_85, %mul3A_95 : i32
        %add3A_97 = arith.constant 1 : i32
        %add3A_98 = arith.addi %mul3A_96, %add3A_97 : i32
        %broadcast_in_dim3A_99 = vector.broadcast %add3A_98 : i32 to vector<16xi32>
        %gather3A_100 = tpu.vector_load_idx %arg9[%add3A_65, %broadcast_in_dim3A_99] : memref<80x128xf32, #tpu.memory_space<vmem>>[vector<16xi32>, vector<16xi32>], vector<16xf32>,
        %gather3A_101 = tpu.vector_load_idx %arg10[%add3A_65, %broadcast_in_dim3A_99] : memref<80x128xf32, #tpu.memory_space<vmem>>[vector<16xi32>, vector<16xi32>], vector<16xf32>,
        %mul3A_102 = arith.mulf %gather3A_100, %gather3A_101 : vector<16xf32>
        %add3A_103 = arith.addf %add3A_94, %mul3A_102 : vector<16xf32>
        %mul3A_104 = arith.constant 8 : i32
        %mul3A_105 = arith.muli %scan3A_85, %mul3A_104 : i32
        %add3A_106 = arith.constant 2 : i32
        %add3A_107 = arith.addi %mul3A_105, %add3A_106 : i32
        %broadcast_in_dim3A_108 = vector.broadcast %add3A_107 : i32 to vector<16xi32>
        %gather3A_109 = tpu.vector_load_idx %arg9[%add3A_65, %broadcast_in_dim3A_108] : memref<80x128xf32, #tpu.memory_space<vmem>>[vector<16xi32>, vector<16xi32>], vector<16xf32>,
        %gather3A_110 = tpu.vector_load_idx %arg10[%add3A_65, %broadcast_in_dim3A_108] : memref<80x128xf32, #tpu.memory_space<vmem>>[vector<16xi32>, vector<16xi32>], vector<16xf32>,
        %mul3A_111 = arith.mulf %gather3A_109, %gather3A_110 : vector<16xf32>
        %add3A_112 = arith.addf %add3A_103, %mul3A_111 : vector<16xf32>
        %mul3A_113 = arith.constant 8 : i32
        %mul3A_114 = arith.muli %scan3A_85, %mul3A_113 : i32
        %add3A_115 = arith.constant 3 : i32
        %add3A_116 = arith.addi %mul3A_114, %add3A_115 : i32
        %broadcast_in_dim3A_117 = vector.broadcast %add3A_116 : i32 to vector<16xi32>
        %gather3A_118 = tpu.vector_load_idx %arg9[%add3A_65, %broadcast_in_dim3A_117] : memref<80x128xf32, #tpu.memory_space<vmem>>[vector<16xi32>, vector<16xi32>], vector<16xf32>,
        %gather3A_119 = tpu.vector_load_idx %arg10[%add3A_65, %broadcast_in_dim3A_117] : memref<80x128xf32, #tpu.memory_space<vmem>>[vector<16xi32>, vector<16xi32>], vector<16xf32>,
        %mul3A_120 = arith.mulf %gather3A_118, %gather3A_119 : vector<16xf32>
        %add3A_121 = arith.addf %add3A_112, %mul3A_120 : vector<16xf32>
        %mul3A_122 = arith.constant 8 : i32
        %mul3A_123 = arith.muli %scan3A_85, %mul3A_122 : i32
        %add3A_124 = arith.constant 4 : i32
        %add3A_125 = arith.addi %mul3A_123, %add3A_124 : i32
        %broadcast_in_dim3A_126 = vector.broadcast %add3A_125 : i32 to vector<16xi32>
        %gather3A_127 = tpu.vector_load_idx %arg9[%add3A_65, %broadcast_in_dim3A_126] : memref<80x128xf32, #tpu.memory_space<vmem>>[vector<16xi32>, vector<16xi32>], vector<16xf32>,
        %gather3A_128 = tpu.vector_load_idx %arg10[%add3A_65, %broadcast_in_dim3A_126] : memref<80x128xf32, #tpu.memory_space<vmem>>[vector<16xi32>, vector<16xi32>], vector<16xf32>,
        %mul3A_129 = arith.mulf %gather3A_127, %gather3A_128 : vector<16xf32>
        %add3A_130 = arith.addf %add3A_121, %mul3A_129 : vector<16xf32>
        %mul3A_131 = arith.constant 8 : i32
        %mul3A_132 = arith.muli %scan3A_85, %mul3A_131 : i32
        %add3A_133 = arith.constant 5 : i32
        %add3A_134 = arith.addi %mul3A_132, %add3A_133 : i32
        %broadcast_in_dim3A_135 = vector.broadcast %add3A_134 : i32 to vector<16xi32>
        %gather3A_136 = tpu.vector_load_idx %arg9[%add3A_65, %broadcast_in_dim3A_135] : memref<80x128xf32, #tpu.memory_space<vmem>>[vector<16xi32>, vector<16xi32>], vector<16xf32>,
        %gather3A_137 = tpu.vector_load_idx %arg10[%add3A_65, %broadcast_in_dim3A_135] : memref<80x128xf32, #tpu.memory_space<vmem>>[vector<16xi32>, vector<16xi32>], vector<16xf32>,
        %mul3A_138 = arith.mulf %gather3A_136, %gather3A_137 : vector<16xf32>
        %add3A_139 = arith.addf %add3A_130, %mul3A_138 : vector<16xf32>
        %mul3A_140 = arith.constant 8 : i32
        %mul3A_141 = arith.muli %scan3A_85, %mul3A_140 : i32
        %add3A_142 = arith.constant 6 : i32
        %add3A_143 = arith.addi %mul3A_141, %add3A_142 : i32
        %broadcast_in_dim3A_144 = vector.broadcast %add3A_143 : i32 to vector<16xi32>
        %gather3A_145 = tpu.vector_load_idx %arg9[%add3A_65, %broadcast_in_dim3A_144] : memref<80x128xf32, #tpu.memory_space<vmem>>[vector<16xi32>, vector<16xi32>], vector<16xf32>,
        %gather3A_146 = tpu.vector_load_idx %arg10[%add3A_65, %broadcast_in_dim3A_144] : memref<80x128xf32, #tpu.memory_space<vmem>>[vector<16xi32>, vector<16xi32>], vector<16xf32>,
        %mul3A_147 = arith.mulf %gather3A_145, %gather3A_146 : vector<16xf32>
        %add3A_148 = arith.addf %add3A_139, %mul3A_147 : vector<16xf32>
        %mul3A_149 = arith.constant 8 : i32
        %mul3A_150 = arith.muli %scan3A_85, %mul3A_149 : i32
        %add3A_151 = arith.constant 7 : i32
        %add3A_152 = arith.addi %mul3A_150, %add3A_151 : i32
        %broadcast_in_dim3A_153 = vector.broadcast %add3A_152 : i32 to vector<16xi32>
        %gather3A_154 = tpu.vector_load_idx %arg9[%add3A_65, %broadcast_in_dim3A_153] : memref<80x128xf32, #tpu.memory_space<vmem>>[vector<16xi32>, vector<16xi32>], vector<16xf32>,
        %gather3A_155 = tpu.vector_load_idx %arg10[%add3A_65, %broadcast_in_dim3A_153] : memref<80x128xf32, #tpu.memory_space<vmem>>[vector<16xi32>, vector<16xi32>], vector<16xf32>,
        %mul3A_156 = arith.mulf %gather3A_154, %gather3A_155 : vector<16xf32>
        %add3A_157 = arith.addf %add3A_148, %mul3A_156 : vector<16xf32>
        scf.yield %add3A_157 : vector<16xf32>
      }
      %scan3A_71 = arith.constant 16 : i32
      %get3A_72 = arith.constant 48 : index
      %get3A_73 = tpu.vector_load %arg8[%get3A_72] {strides = array<i32>} : memref<80xi32, #tpu.memory_space<vmem>>, vector<16xi32>,
      tpu.vector_store_idx %arg11[%get3A_73], %scan3A_70 {add = true} : memref<10000xf32, #tpu.memory_space<vmem>>[vector<16xi32>], vector<16xf32>,
      tpu.vector_store_idx %arg12[%get3A_73], %broadcast_in_dim3A_5 {add = true} : memref<10000xf32, #tpu.memory_space<vmem>>[vector<16xi32>], vector<16xf32>,
      %add3A_74 = arith.constant 64 : i32
      %add3A_75 = vector.broadcast %add3A_74 : i32 to vector<16xi32>
      %add3A_76 = arith.addi %iota3A, %add3A_75 : vector<16xi32>
      %scan3A_77 = arith.constant 0 : i32
      %scan3A_78 = arith.constant 16 : i32
      %scan3A_79 = arith.addi %scan3A_77, %scan3A_78 : i32
      %scan3A_80 = arith.constant 1 : i32
      %scan3A_81 = scf.for %scan3A_85 = %scan3A_77 to %scan3A_79 step %scan3A_80 iter_args(%scan3A_86 = %broadcast_in_dim3A_3) -> (vector<16xf32>)  : i32 {
        %mul3A_87 = arith.constant 8 : i32
        %mul3A_88 = arith.muli %scan3A_85, %mul3A_87 : i32
        %add3A_89 = arith.constant 0 : i32
        %add3A_90 = arith.addi %mul3A_88, %add3A_89 : i32
        %broadcast_in_dim3A_91 = vector.broadcast %add3A_90 : i32 to vector<16xi32>
        %gather3A = tpu.vector_load_idx %arg9[%add3A_76, %broadcast_in_dim3A_91] : memref<80x128xf32, #tpu.memory_space<vmem>>[vector<16xi32>, vector<16xi32>], vector<16xf32>,
        %gather3A_92 = tpu.vector_load_idx %arg10[%add3A_76, %broadcast_in_dim3A_91] : memref<80x128xf32, #tpu.memory_space<vmem>>[vector<16xi32>, vector<16xi32>], vector<16xf32>,
        %mul3A_93 = arith.mulf %gather3A, %gather3A_92 : vector<16xf32>
        %add3A_94 = arith.addf %scan3A_86, %mul3A_93 : vector<16xf32>
        %mul3A_95 = arith.constant 8 : i32
        %mul3A_96 = arith.muli %scan3A_85, %mul3A_95 : i32
        %add3A_97 = arith.constant 1 : i32
        %add3A_98 = arith.addi %mul3A_96, %add3A_97 : i32
        %broadcast_in_dim3A_99 = vector.broadcast %add3A_98 : i32 to vector<16xi32>
        %gather3A_100 = tpu.vector_load_idx %arg9[%add3A_76, %broadcast_in_dim3A_99] : memref<80x128xf32, #tpu.memory_space<vmem>>[vector<16xi32>, vector<16xi32>], vector<16xf32>,
        %gather3A_101 = tpu.vector_load_idx %arg10[%add3A_76, %broadcast_in_dim3A_99] : memref<80x128xf32, #tpu.memory_space<vmem>>[vector<16xi32>, vector<16xi32>], vector<16xf32>,
        %mul3A_102 = arith.mulf %gather3A_100, %gather3A_101 : vector<16xf32>
        %add3A_103 = arith.addf %add3A_94, %mul3A_102 : vector<16xf32>
        %mul3A_104 = arith.constant 8 : i32
        %mul3A_105 = arith.muli %scan3A_85, %mul3A_104 : i32
        %add3A_106 = arith.constant 2 : i32
        %add3A_107 = arith.addi %mul3A_105, %add3A_106 : i32
        %broadcast_in_dim3A_108 = vector.broadcast %add3A_107 : i32 to vector<16xi32>
        %gather3A_109 = tpu.vector_load_idx %arg9[%add3A_76, %broadcast_in_dim3A_108] : memref<80x128xf32, #tpu.memory_space<vmem>>[vector<16xi32>, vector<16xi32>], vector<16xf32>,
        %gather3A_110 = tpu.vector_load_idx %arg10[%add3A_76, %broadcast_in_dim3A_108] : memref<80x128xf32, #tpu.memory_space<vmem>>[vector<16xi32>, vector<16xi32>], vector<16xf32>,
        %mul3A_111 = arith.mulf %gather3A_109, %gather3A_110 : vector<16xf32>
        %add3A_112 = arith.addf %add3A_103, %mul3A_111 : vector<16xf32>
        %mul3A_113 = arith.constant 8 : i32
        %mul3A_114 = arith.muli %scan3A_85, %mul3A_113 : i32
        %add3A_115 = arith.constant 3 : i32
        %add3A_116 = arith.addi %mul3A_114, %add3A_115 : i32
        %broadcast_in_dim3A_117 = vector.broadcast %add3A_116 : i32 to vector<16xi32>
        %gather3A_118 = tpu.vector_load_idx %arg9[%add3A_76, %broadcast_in_dim3A_117] : memref<80x128xf32, #tpu.memory_space<vmem>>[vector<16xi32>, vector<16xi32>], vector<16xf32>,
        %gather3A_119 = tpu.vector_load_idx %arg10[%add3A_76, %broadcast_in_dim3A_117] : memref<80x128xf32, #tpu.memory_space<vmem>>[vector<16xi32>, vector<16xi32>], vector<16xf32>,
        %mul3A_120 = arith.mulf %gather3A_118, %gather3A_119 : vector<16xf32>
        %add3A_121 = arith.addf %add3A_112, %mul3A_120 : vector<16xf32>
        %mul3A_122 = arith.constant 8 : i32
        %mul3A_123 = arith.muli %scan3A_85, %mul3A_122 : i32
        %add3A_124 = arith.constant 4 : i32
        %add3A_125 = arith.addi %mul3A_123, %add3A_124 : i32
        %broadcast_in_dim3A_126 = vector.broadcast %add3A_125 : i32 to vector<16xi32>
        %gather3A_127 = tpu.vector_load_idx %arg9[%add3A_76, %broadcast_in_dim3A_126] : memref<80x128xf32, #tpu.memory_space<vmem>>[vector<16xi32>, vector<16xi32>], vector<16xf32>,
        %gather3A_128 = tpu.vector_load_idx %arg10[%add3A_76, %broadcast_in_dim3A_126] : memref<80x128xf32, #tpu.memory_space<vmem>>[vector<16xi32>, vector<16xi32>], vector<16xf32>,
        %mul3A_129 = arith.mulf %gather3A_127, %gather3A_128 : vector<16xf32>
        %add3A_130 = arith.addf %add3A_121, %mul3A_129 : vector<16xf32>
        %mul3A_131 = arith.constant 8 : i32
        %mul3A_132 = arith.muli %scan3A_85, %mul3A_131 : i32
        %add3A_133 = arith.constant 5 : i32
        %add3A_134 = arith.addi %mul3A_132, %add3A_133 : i32
        %broadcast_in_dim3A_135 = vector.broadcast %add3A_134 : i32 to vector<16xi32>
        %gather3A_136 = tpu.vector_load_idx %arg9[%add3A_76, %broadcast_in_dim3A_135] : memref<80x128xf32, #tpu.memory_space<vmem>>[vector<16xi32>, vector<16xi32>], vector<16xf32>,
        %gather3A_137 = tpu.vector_load_idx %arg10[%add3A_76, %broadcast_in_dim3A_135] : memref<80x128xf32, #tpu.memory_space<vmem>>[vector<16xi32>, vector<16xi32>], vector<16xf32>,
        %mul3A_138 = arith.mulf %gather3A_136, %gather3A_137 : vector<16xf32>
        %add3A_139 = arith.addf %add3A_130, %mul3A_138 : vector<16xf32>
        %mul3A_140 = arith.constant 8 : i32
        %mul3A_141 = arith.muli %scan3A_85, %mul3A_140 : i32
        %add3A_142 = arith.constant 6 : i32
        %add3A_143 = arith.addi %mul3A_141, %add3A_142 : i32
        %broadcast_in_dim3A_144 = vector.broadcast %add3A_143 : i32 to vector<16xi32>
        %gather3A_145 = tpu.vector_load_idx %arg9[%add3A_76, %broadcast_in_dim3A_144] : memref<80x128xf32, #tpu.memory_space<vmem>>[vector<16xi32>, vector<16xi32>], vector<16xf32>,
        %gather3A_146 = tpu.vector_load_idx %arg10[%add3A_76, %broadcast_in_dim3A_144] : memref<80x128xf32, #tpu.memory_space<vmem>>[vector<16xi32>, vector<16xi32>], vector<16xf32>,
        %mul3A_147 = arith.mulf %gather3A_145, %gather3A_146 : vector<16xf32>
        %add3A_148 = arith.addf %add3A_139, %mul3A_147 : vector<16xf32>
        %mul3A_149 = arith.constant 8 : i32
        %mul3A_150 = arith.muli %scan3A_85, %mul3A_149 : i32
        %add3A_151 = arith.constant 7 : i32
        %add3A_152 = arith.addi %mul3A_150, %add3A_151 : i32
        %broadcast_in_dim3A_153 = vector.broadcast %add3A_152 : i32 to vector<16xi32>
        %gather3A_154 = tpu.vector_load_idx %arg9[%add3A_76, %broadcast_in_dim3A_153] : memref<80x128xf32, #tpu.memory_space<vmem>>[vector<16xi32>, vector<16xi32>], vector<16xf32>,
        %gather3A_155 = tpu.vector_load_idx %arg10[%add3A_76, %broadcast_in_dim3A_153] : memref<80x128xf32, #tpu.memory_space<vmem>>[vector<16xi32>, vector<16xi32>], vector<16xf32>,
        %mul3A_156 = arith.mulf %gather3A_154, %gather3A_155 : vector<16xf32>
        %add3A_157 = arith.addf %add3A_148, %mul3A_156 : vector<16xf32>
        scf.yield %add3A_157 : vector<16xf32>
      }
      %scan3A_82 = arith.constant 16 : i32
      %get3A_83 = arith.constant 64 : index
      %get3A_84 = tpu.vector_load %arg8[%get3A_83] {strides = array<i32>} : memref<80xi32, #tpu.memory_space<vmem>>, vector<16xi32>,
      tpu.vector_store_idx %arg11[%get3A_84], %scan3A_81 {add = true} : memref<10000xf32, #tpu.memory_space<vmem>>[vector<16xi32>], vector<16xf32>,
      tpu.vector_store_idx %arg12[%get3A_84], %broadcast_in_dim3A_5 {add = true} : memref<10000xf32, #tpu.memory_space<vmem>>[vector<16xi32>], vector<16xf32>,
    }
    %scan3A_16 = arith.constant 125 : i32
    "tpu.region"() ({
      %run_scoped3A = tpu.sem_alloc : memref<!tpu.dma_semaphore, #tpu.memory_space<semaphore_mem>>
      %dma_start3A = arith.constant 0 : i32
      %dma_start3A_17 = tpu.memref_slice %arg5[%add3A, %dma_start3A] : memref<32x10000xf32, #tpu.memory_space<hbm>> -> memref<1x10000xf32, #tpu.memory_space<hbm>>
      %dma_start3A_18 = tpu.memref_squeeze %dma_start3A_17 : memref<1x10000xf32, #tpu.memory_space<hbm>> -> memref<10000xf32, #tpu.memory_space<hbm>>
      %dma_start3A_19 = arith.constant 0 : i32
      %dma_start3A_20 = tpu.memref_slice %arg5[%add3A, %dma_start3A_19] : memref<32x10000xf32, #tpu.memory_space<hbm>> -> memref<1x10000xf32, #tpu.memory_space<hbm>>
      %dma_start3A_21 = tpu.memref_squeeze %dma_start3A_20 : memref<1x10000xf32, #tpu.memory_space<hbm>> -> memref<10000xf32, #tpu.memory_space<hbm>>
      tpu.enqueue_dma source(%arg11 : memref<10000xf32, #tpu.memory_space<vmem>>) target(%dma_start3A_21 : memref<10000xf32, #tpu.memory_space<hbm>>) target_semaphore(%run_scoped3A : memref<!tpu.dma_semaphore, #tpu.memory_space<semaphore_mem>>)
      %dma_wait3A = arith.constant 0 : i32
      %dma_wait3A_22 = tpu.memref_slice %arg5[%add3A, %dma_wait3A] : memref<32x10000xf32, #tpu.memory_space<hbm>> -> memref<1x10000xf32, #tpu.memory_space<hbm>>
      %dma_wait3A_23 = tpu.memref_squeeze %dma_wait3A_22 : memref<1x10000xf32, #tpu.memory_space<hbm>> -> memref<10000xf32, #tpu.memory_space<hbm>>
      %dma_wait3A_24 = arith.constant 0 : i32
      %dma_wait3A_25 = tpu.memref_slice %arg5[%add3A, %dma_wait3A_24] : memref<32x10000xf32, #tpu.memory_space<hbm>> -> memref<1x10000xf32, #tpu.memory_space<hbm>>
      %dma_wait3A_26 = tpu.memref_squeeze %dma_wait3A_25 : memref<1x10000xf32, #tpu.memory_space<hbm>> -> memref<10000xf32, #tpu.memory_space<hbm>>
      tpu.wait_dma2 semaphore(%run_scoped3A : memref<!tpu.dma_semaphore, #tpu.memory_space<semaphore_mem>>) src(%arg11 : memref<10000xf32, #tpu.memory_space<vmem>>) dst(%dma_wait3A_26 : memref<10000xf32, #tpu.memory_space<hbm>>)
      tpu.yield
    }) : () -> ()
    "tpu.region"() ({
      %run_scoped3A = tpu.sem_alloc : memref<!tpu.dma_semaphore, #tpu.memory_space<semaphore_mem>>
      %dma_start3A = arith.constant 0 : i32
      %dma_start3A_17 = tpu.memref_slice %arg6[%add3A, %dma_start3A] : memref<32x10000xf32, #tpu.memory_space<hbm>> -> memref<1x10000xf32, #tpu.memory_space<hbm>>
      %dma_start3A_18 = tpu.memref_squeeze %dma_start3A_17 : memref<1x10000xf32, #tpu.memory_space<hbm>> -> memref<10000xf32, #tpu.memory_space<hbm>>
      %dma_start3A_19 = arith.constant 0 : i32
      %dma_start3A_20 = tpu.memref_slice %arg6[%add3A, %dma_start3A_19] : memref<32x10000xf32, #tpu.memory_space<hbm>> -> memref<1x10000xf32, #tpu.memory_space<hbm>>
      %dma_start3A_21 = tpu.memref_squeeze %dma_start3A_20 : memref<1x10000xf32, #tpu.memory_space<hbm>> -> memref<10000xf32, #tpu.memory_space<hbm>>
      tpu.enqueue_dma source(%arg12 : memref<10000xf32, #tpu.memory_space<vmem>>) target(%dma_start3A_21 : memref<10000xf32, #tpu.memory_space<hbm>>) target_semaphore(%run_scoped3A : memref<!tpu.dma_semaphore, #tpu.memory_space<semaphore_mem>>)
      %dma_wait3A = arith.constant 0 : i32
      %dma_wait3A_22 = tpu.memref_slice %arg6[%add3A, %dma_wait3A] : memref<32x10000xf32, #tpu.memory_space<hbm>> -> memref<1x10000xf32, #tpu.memory_space<hbm>>
      %dma_wait3A_23 = tpu.memref_squeeze %dma_wait3A_22 : memref<1x10000xf32, #tpu.memory_space<hbm>> -> memref<10000xf32, #tpu.memory_space<hbm>>
      %dma_wait3A_24 = arith.constant 0 : i32
      %dma_wait3A_25 = tpu.memref_slice %arg6[%add3A, %dma_wait3A_24] : memref<32x10000xf32, #tpu.memory_space<hbm>> -> memref<1x10000xf32, #tpu.memory_space<hbm>>
      %dma_wait3A_26 = tpu.memref_squeeze %dma_wait3A_25 : memref<1x10000xf32, #tpu.memory_space<hbm>> -> memref<10000xf32, #tpu.memory_space<hbm>>
      tpu.wait_dma2 semaphore(%run_scoped3A : memref<!tpu.dma_semaphore, #tpu.memory_space<semaphore_mem>>) src(%arg12 : memref<10000xf32, #tpu.memory_space<vmem>>) dst(%dma_wait3A_26 : memref<10000xf32, #tpu.memory_space<hbm>>)
      tpu.yield
    }) : () -> ()
    return
  }
}

module attributes {stable_mosaic.version = 14 : i64} {
  func.func @_norm_body(%arg0: i32, %arg1: memref<1000x128xf32, #tpu.memory_space<vmem>>, %arg2: memref<1000x128xf32, #tpu.memory_space<vmem>>) attributes {dimension_semantics = [#tpu.dimension_semantics<arbitrary>], iteration_bounds = array<i64: 10>, scalar_prefetch = 0 : i64, scratch_operands = 0 : i64, tpu.core_type = #tpu.core_type<tc>, window_params = [{transform_indices = @transform_0, window_bounds = array<i64: 1000, 128>}, {transform_indices = @transform_1, window_bounds = array<i64: 1000, 128>}]} {
    %get3A = arith.constant 0 : index
    %get3A_0 = arith.constant 0 : index
    %get3A_1 = vector.load %arg1[%get3A, %get3A_0] : memref<1000x128xf32, #tpu.memory_space<vmem>>, vector<1000x128xf32>
    %mul3A = arith.mulf %get3A_1, %get3A_1 : vector<1000x128xf32>
    %reduce_sum3A = arith.constant dense<0.000000e+00> : vector<1000xf32>
    %reduce_sum3A_2 = vector.multi_reduction <add>, %mul3A, %reduce_sum3A [1] : vector<1000x128xf32> to vector<1000xf32>
    %broadcast_in_dim3A = vector.shape_cast %reduce_sum3A_2 : vector<1000xf32> to vector<1000x1xf32>
    %sqrt3A = math.sqrt %broadcast_in_dim3A : vector<1000x1xf32>
    %div3A = vector.broadcast %sqrt3A : vector<1000x1xf32> to vector<1000x128xf32>
    %div3A_3 = arith.divf %get3A_1, %div3A : vector<1000x128xf32>
    %swap3A = arith.constant 0 : index
    %swap3A_4 = arith.constant 0 : index
    %swap3A_5 = vector.load %arg2[%swap3A, %swap3A_4] : memref<1000x128xf32, #tpu.memory_space<vmem>>, vector<1000x128xf32>
    tpu.vector_store %arg2[%swap3A, %swap3A_4], %div3A_3 {strides = array<i32>} : memref<1000x128xf32, #tpu.memory_space<vmem>>, vector<1000x128xf32>,
    return
  }
  func.func @transform_0(%arg0: i32) -> (i32, i32) {
    %c0_i32 = arith.constant 0 : i32
    %c0_i32_0 = arith.constant 0 : i32
    return %arg0, %c0_i32 : i32, i32
  }
  func.func @transform_1(%arg0: i32) -> (i32, i32) {
    %c0_i32 = arith.constant 0 : i32
    %c0_i32_0 = arith.constant 0 : i32
    return %arg0, %c0_i32 : i32, i32
  }
}

module attributes {stable_mosaic.version = 14 : i64} {
  func.func @_final_body(%arg0: i32, %arg1: memref<1000x128xf32, #tpu.memory_space<vmem>>, %arg2: memref<1000x32xf32, #tpu.memory_space<vmem>>, %arg3: memref<1000x32xf32, #tpu.memory_space<vmem>>, %arg4: memref<1x128xf32, #tpu.memory_space<vmem>>, %arg5: memref<1x128xf32, #tpu.memory_space<vmem>>, %arg6: memref<1x128xf32, #tpu.memory_space<vmem>>, %arg7: memref<1x128xf32, #tpu.memory_space<vmem>>, %arg8: memref<384x128xf32, #tpu.memory_space<vmem>>, %arg9: memref<1x384xf32, #tpu.memory_space<vmem>>, %arg10: memref<128x128xf32, #tpu.memory_space<vmem>>, %arg11: memref<1x128xf32, #tpu.memory_space<vmem>>, %arg12: memref<1000x128xf32, #tpu.memory_space<vmem>>) attributes {dimension_semantics = [#tpu.dimension_semantics<arbitrary>], iteration_bounds = array<i64: 10>, scalar_prefetch = 0 : i64, scratch_operands = 0 : i64, tpu.core_type = #tpu.core_type<tc>, window_params = [{transform_indices = @transform_0, window_bounds = array<i64: 1000, 128>}, {transform_indices = @transform_1, window_bounds = array<i64: 1000, 32>}, {transform_indices = @transform_2, window_bounds = array<i64: 1000, 32>}, {pipeline_mode = #tpu.pipeline_mode<synchronous>, transform_indices = @transform_3, window_bounds = array<i64: 1, 128>}, {pipeline_mode = #tpu.pipeline_mode<synchronous>, transform_indices = @transform_4, window_bounds = array<i64: 1, 128>}, {pipeline_mode = #tpu.pipeline_mode<synchronous>, transform_indices = @transform_5, window_bounds = array<i64: 1, 128>}, {pipeline_mode = #tpu.pipeline_mode<synchronous>, transform_indices = @transform_6, window_bounds = array<i64: 1, 128>}, {pipeline_mode = #tpu.pipeline_mode<synchronous>, transform_indices = @transform_7, window_bounds = array<i64: 384, 128>}, {pipeline_mode = #tpu.pipeline_mode<synchronous>, transform_indices = @transform_8, window_bounds = array<i64: 1, 384>}, {pipeline_mode = #tpu.pipeline_mode<synchronous>, transform_indices = @transform_9, window_bounds = array<i64: 128, 128>}, {pipeline_mode = #tpu.pipeline_mode<synchronous>, transform_indices = @transform_10, window_bounds = array<i64: 1, 128>}, {transform_indices = @transform_11, window_bounds = array<i64: 1000, 128>}]} {
    %get3A = arith.constant 0 : index
    %get3A_0 = arith.constant 0 : index
    %get3A_1 = vector.load %arg2[%get3A, %get3A_0] : memref<1000x32xf32, #tpu.memory_space<vmem>>, vector<1000x32xf32>
    %reduce_sum3A = arith.constant dense<0.000000e+00> : vector<1000xf32>
    %reduce_sum3A_2 = vector.multi_reduction <add>, %get3A_1, %reduce_sum3A [1] : vector<1000x32xf32> to vector<1000xf32>
    %broadcast_in_dim3A = vector.shape_cast %reduce_sum3A_2 : vector<1000xf32> to vector<1000x1xf32>
    %get3A_3 = arith.constant 0 : index
    %get3A_4 = arith.constant 0 : index
    %get3A_5 = vector.load %arg3[%get3A_3, %get3A_4] : memref<1000x32xf32, #tpu.memory_space<vmem>>, vector<1000x32xf32>
    %reduce_sum3A_6 = arith.constant dense<0.000000e+00> : vector<1000xf32>
    %reduce_sum3A_7 = vector.multi_reduction <add>, %get3A_5, %reduce_sum3A_6 [1] : vector<1000x32xf32> to vector<1000xf32>
    %broadcast_in_dim3A_8 = vector.shape_cast %reduce_sum3A_7 : vector<1000xf32> to vector<1000x1xf32>
    %div3A = arith.divf %broadcast_in_dim3A, %broadcast_in_dim3A_8 : vector<1000x1xf32>
    %le3A = arith.constant 5.000000e-01 : f32
    %le3A_9 = vector.broadcast %le3A : f32 to vector<1000x1xf32>
    %le3A_10 = arith.cmpf ole, %div3A, %le3A_9 : vector<1000x1xf32>
    %le3A_11 = arith.constant 2.000000e+00 : f32
    %le3A_12 = vector.broadcast %le3A_11 : f32 to vector<1000x1xf32>
    %le3A_13 = arith.cmpf ole, %broadcast_in_dim3A_8, %le3A_12 : vector<1000x1xf32>
    %not3A = arith.constant dense<true> : vector<1000x1xi1>
    %not3A_14 = arith.xori %le3A_10, %not3A : vector<1000x1xi1>
    %not3A_15 = arith.constant dense<true> : vector<1000x1xi1>
    %not3A_16 = arith.xori %le3A_13, %not3A_15 : vector<1000x1xi1>
    %and3A = arith.andi %le3A_10, %le3A_13 : vector<1000x1xi1>
    %convert_element_type3A = arith.extui %and3A : vector<1000x1xi1> to vector<1000x1xi32>
    %convert_element_type3A_17 = arith.sitofp %convert_element_type3A : vector<1000x1xi32> to vector<1000x1xf32>
    %and3A_18 = arith.andi %le3A_10, %not3A_16 : vector<1000x1xi1>
    %convert_element_type3A_19 = arith.extui %and3A_18 : vector<1000x1xi1> to vector<1000x1xi32>
    %convert_element_type3A_20 = arith.sitofp %convert_element_type3A_19 : vector<1000x1xi32> to vector<1000x1xf32>
    %and3A_21 = arith.andi %not3A_14, %le3A_13 : vector<1000x1xi1>
    %convert_element_type3A_22 = arith.extui %and3A_21 : vector<1000x1xi1> to vector<1000x1xi32>
    %convert_element_type3A_23 = arith.sitofp %convert_element_type3A_22 : vector<1000x1xi32> to vector<1000x1xf32>
    %and3A_24 = arith.andi %not3A_14, %not3A_16 : vector<1000x1xi1>
    %convert_element_type3A_25 = arith.extui %and3A_24 : vector<1000x1xi1> to vector<1000x1xi32>
    %convert_element_type3A_26 = arith.sitofp %convert_element_type3A_25 : vector<1000x1xi32> to vector<1000x1xf32>
    %concatenate3A = tpu.concatenate %convert_element_type3A_17, %convert_element_type3A_20, %convert_element_type3A_23, %convert_element_type3A_26 in 1 : vector<1000x1xf32>, vector<1000x1xf32>, vector<1000x1xf32>, vector<1000x1xf32> -> vector<1000x4xf32>
    %get3A_27 = arith.constant 0 : index
    %get3A_28 = arith.constant 0 : index
    %get3A_29 = vector.load %arg7[%get3A_27, %get3A_28] : memref<1x128xf32, #tpu.memory_space<vmem>>, vector<1x128xf32>
    %get3A_30 = arith.constant 0 : index
    %get3A_31 = arith.constant 0 : index
    %get3A_32 = vector.load %arg4[%get3A_30, %get3A_31] : memref<1x128xf32, #tpu.memory_space<vmem>>, vector<1x128xf32>
    %get3A_33 = arith.constant 0 : index
    %get3A_34 = arith.constant 0 : index
    %get3A_35 = vector.load %arg5[%get3A_33, %get3A_34] : memref<1x128xf32, #tpu.memory_space<vmem>>, vector<1x128xf32>
    %get3A_36 = arith.constant 0 : index
    %get3A_37 = arith.constant 0 : index
    %get3A_38 = vector.load %arg6[%get3A_36, %get3A_37] : memref<1x128xf32, #tpu.memory_space<vmem>>, vector<1x128xf32>
    %broadcast_in_dim3A_39 = arith.constant 0.000000e+00 : f32
    %broadcast_in_dim3A_40 = vector.broadcast %broadcast_in_dim3A_39 : f32 to vector<1x128xf32>
    %concatenate3A_41 = tpu.concatenate %get3A_29, %get3A_32, %get3A_35, %broadcast_in_dim3A_40, %get3A_29, %get3A_32, %broadcast_in_dim3A_40, %broadcast_in_dim3A_40, %get3A_29, %broadcast_in_dim3A_40, %get3A_35, %broadcast_in_dim3A_40, %get3A_29, %broadcast_in_dim3A_40, %broadcast_in_dim3A_40, %get3A_38 in 0 : vector<1x128xf32>, vector<1x128xf32>, vector<1x128xf32>, vector<1x128xf32>, vector<1x128xf32>, vector<1x128xf32>, vector<1x128xf32>, vector<1x128xf32>, vector<1x128xf32>, vector<1x128xf32>, vector<1x128xf32>, vector<1x128xf32>, vector<1x128xf32>, vector<1x128xf32>, vector<1x128xf32>, vector<1x128xf32> -> vector<16x128xf32>
    %get3A_42 = arith.constant 0 : index
    %get3A_43 = arith.constant 0 : index
    %get3A_44 = vector.load %arg9[%get3A_42, %get3A_43] : memref<1x384xf32, #tpu.memory_space<vmem>>, vector<1x384xf32>
    %get3A_45 = arith.constant 0 : index
    %get3A_46 = arith.constant 0 : index
    %get3A_47 = vector.load %arg8[%get3A_45, %get3A_46] : memref<384x128xf32, #tpu.memory_space<vmem>>, vector<384x128xf32>
    %dot_general3A = arith.constant dense<0.000000e+00> : vector<16x384xf32>
    %dot_general3A_48 = tpu.matmul %concatenate3A_41, %get3A_47, %dot_general3A {dimension_numbers = #tpu.dot_dimension_numbers<[1], [1], [0], [0], [0, 0, 1, 0], [], []>, transpose_lhs_hint = false} : vector<16x128xf32>, vector<384x128xf32>, vector<16x384xf32> -> vector<16x384xf32>
    %add3A = vector.broadcast %get3A_44 : vector<1x384xf32> to vector<16x384xf32>
    %add3A_49 = arith.addf %dot_general3A_48, %add3A : vector<16x384xf32>
    %slice3A = vector.extract_strided_slice %add3A_49 {offsets = [0, 128], sizes = [16, 128], strides = [1, 1]} : vector<16x384xf32> to vector<16x128xf32>
    %slice3A_50 = vector.extract_strided_slice %add3A_49 {offsets = [0, 256], sizes = [16, 128], strides = [1, 1]} : vector<16x384xf32> to vector<16x128xf32>
    %slice3A_51 = vector.extract_strided_slice %add3A_49 {offsets = [0, 0], sizes = [1, 128], strides = [1, 1]} : vector<16x384xf32> to vector<1x128xf32>
    %dot_general3A_52 = arith.constant dense<0.000000e+00> : vector<1x16xf32>
    %dot_general3A_53 = tpu.matmul %slice3A_51, %slice3A, %dot_general3A_52 {dimension_numbers = #tpu.dot_dimension_numbers<[1], [1], [0], [0], [0, 0, 1, 0], [], []>, transpose_lhs_hint = false} : vector<1x128xf32>, vector<16x128xf32>, vector<1x16xf32> -> vector<1x16xf32>
    %div3A_54 = arith.constant 11.3137083 : f32
    %div3A_55 = vector.broadcast %div3A_54 : f32 to vector<1x16xf32>
    %div3A_56 = arith.divf %dot_general3A_53, %div3A_55 : vector<1x16xf32>
    %broadcast_in_dim3A_57 = vector.shape_cast %div3A_56 : vector<1x16xf32> to vector<1x16xf32>
    %broadcast_in_dim3A_58 = vector.broadcast %broadcast_in_dim3A_57 : vector<1x16xf32> to vector<4x16xf32>
    %iota3A = tpu.iota {dimensions = array<i32: 1>} : vector<4x16xi32>
    %jit3A = arith.constant 4 : i32
    %div3A_59 = vector.broadcast %jit3A : i32 to vector<4x16xi32>
    %div3A_60 = arith.divsi %iota3A, %div3A_59 : vector<4x16xi32>
    %sign3A = arith.constant 0 : i32
    %sign3A_61 = vector.broadcast %sign3A : i32 to vector<4x16xi32>
    %sign3A_62 = arith.cmpi sgt, %iota3A, %sign3A_61 : vector<4x16xi32>
    %sign3A_63 = arith.extui %sign3A_62 : vector<4x16xi1> to vector<4x16xi32>
    %sign3A_64 = arith.constant 0 : i32
    %sign3A_65 = vector.broadcast %sign3A_64 : i32 to vector<4x16xi32>
    %sign3A_66 = arith.cmpi slt, %iota3A, %sign3A_65 : vector<4x16xi32>
    %sign3A_67 = arith.extui %sign3A_66 : vector<4x16xi1> to vector<4x16xi32>
    %sign3A_68 = arith.subi %sign3A_63, %sign3A_67 : vector<4x16xi32>
    %sign3A_69 = arith.constant 0 : i32
    %sign3A_70 = arith.cmpi sgt, %jit3A, %sign3A_69 : i32
    %sign3A_71 = arith.extui %sign3A_70 : i1 to i32
    %sign3A_72 = arith.constant 0 : i32
    %sign3A_73 = arith.cmpi slt, %jit3A, %sign3A_72 : i32
    %sign3A_74 = arith.extui %sign3A_73 : i1 to i32
    %sign3A_75 = arith.subi %sign3A_71, %sign3A_74 : i32
    %ne3A = vector.broadcast %sign3A_75 : i32 to vector<4x16xi32>
    %ne3A_76 = arith.cmpi ne, %sign3A_68, %ne3A : vector<4x16xi32>
    %rem3A = vector.broadcast %jit3A : i32 to vector<4x16xi32>
    %rem3A_77 = arith.remsi %iota3A, %rem3A : vector<4x16xi32>
    %ne3A_78 = arith.constant 0 : i32
    %ne3A_79 = vector.broadcast %ne3A_78 : i32 to vector<4x16xi32>
    %ne3A_80 = arith.cmpi ne, %rem3A_77, %ne3A_79 : vector<4x16xi32>
    %and3A_81 = arith.andi %ne3A_76, %ne3A_80 : vector<4x16xi1>
    %sub3A = arith.constant 1 : i32
    %sub3A_82 = vector.broadcast %sub3A : i32 to vector<4x16xi32>
    %sub3A_83 = arith.subi %div3A_60, %sub3A_82 : vector<4x16xi32>
    %select_n3A = arith.select %and3A_81, %sub3A_83, %div3A_60 : vector<4x16xi1>, vector<4x16xi32>
    %iota3A_84 = tpu.iota {dimensions = array<i32: 0>} : vector<4x16xi32>
    %eq3A = arith.cmpi eq, %select_n3A, %iota3A_84 : vector<4x16xi32>
    %jit3A_85 = arith.constant -1.000000e+30 : f32
    %broadcast_in_dim3A_86 = vector.broadcast %jit3A_85 : f32 to vector<4x16xf32>
    %select_n3A_87 = arith.select %eq3A, %broadcast_in_dim3A_58, %broadcast_in_dim3A_86 : vector<4x16xi1>, vector<4x16xf32>
    %reduce_max3A = arith.constant dense<0xFF800000> : vector<4xf32>
    %reduce_max3A_88 = vector.multi_reduction <maximumf>, %select_n3A_87, %reduce_max3A [1] : vector<4x16xf32> to vector<4xf32>
    %max3A = arith.constant 0xFF800000 : f32
    %max3A_89 = vector.broadcast %max3A : f32 to vector<4xf32>
    %max3A_90 = arith.maximumf %max3A_89, %reduce_max3A_88 : vector<4xf32>
    %broadcast_in_dim3A_91 = vector.shape_cast %max3A_90 : vector<4xf32> to vector<4x1xf32>
    %sub3A_92 = vector.broadcast %broadcast_in_dim3A_91 : vector<4x1xf32> to vector<4x16xf32>
    %sub3A_93 = arith.subf %select_n3A_87, %sub3A_92 : vector<4x16xf32>
    %exp3A = math.exp %sub3A_93 : vector<4x16xf32>
    %reduce_sum3A_94 = arith.constant dense<0.000000e+00> : vector<4xf32>
    %reduce_sum3A_95 = vector.multi_reduction <add>, %exp3A, %reduce_sum3A_94 [1] : vector<4x16xf32> to vector<4xf32>
    %broadcast_in_dim3A_96 = vector.shape_cast %reduce_sum3A_95 : vector<4xf32> to vector<4x1xf32>
    %div3A_97 = vector.broadcast %broadcast_in_dim3A_96 : vector<4x1xf32> to vector<4x16xf32>
    %div3A_98 = arith.divf %exp3A, %div3A_97 : vector<4x16xf32>
    %dot_general3A_99 = arith.constant dense<0.000000e+00> : vector<4x128xf32>
    %dot_general3A_100 = tpu.matmul %div3A_98, %slice3A_50, %dot_general3A_99 {dimension_numbers = #tpu.dot_dimension_numbers<[1], [0], [0], [1], [0, 0, 1, 1], [], []>, transpose_lhs_hint = false} : vector<4x16xf32>, vector<16x128xf32>, vector<4x128xf32> -> vector<4x128xf32>
    %get3A_101 = arith.constant 0 : index
    %get3A_102 = arith.constant 0 : index
    %get3A_103 = vector.load %arg10[%get3A_101, %get3A_102] : memref<128x128xf32, #tpu.memory_space<vmem>>, vector<128x128xf32>
    %dot_general3A_104 = arith.constant dense<0.000000e+00> : vector<4x128xf32>
    %dot_general3A_105 = tpu.matmul %dot_general3A_100, %get3A_103, %dot_general3A_104 {dimension_numbers = #tpu.dot_dimension_numbers<[1], [1], [0], [0], [0, 0, 1, 0], [], []>, transpose_lhs_hint = false} : vector<4x128xf32>, vector<128x128xf32>, vector<4x128xf32> -> vector<4x128xf32>
    %get3A_106 = arith.constant 0 : index
    %get3A_107 = arith.constant 0 : index
    %get3A_108 = vector.load %arg11[%get3A_106, %get3A_107] : memref<1x128xf32, #tpu.memory_space<vmem>>, vector<1x128xf32>
    %add3A_109 = vector.broadcast %get3A_108 : vector<1x128xf32> to vector<4x128xf32>
    %add3A_110 = arith.addf %dot_general3A_105, %add3A_109 : vector<4x128xf32>
    %dot_general3A_111 = arith.constant dense<0.000000e+00> : vector<1000x128xf32>
    %dot_general3A_112 = tpu.matmul %concatenate3A, %add3A_110, %dot_general3A_111 {dimension_numbers = #tpu.dot_dimension_numbers<[1], [0], [0], [1], [0, 0, 1, 1], [], []>, transpose_lhs_hint = false} : vector<1000x4xf32>, vector<4x128xf32>, vector<1000x128xf32> -> vector<1000x128xf32>
    %get3A_113 = arith.constant 0 : index
    %get3A_114 = arith.constant 0 : index
    %get3A_115 = vector.load %arg1[%get3A_113, %get3A_114] : memref<1000x128xf32, #tpu.memory_space<vmem>>, vector<1000x128xf32>
    %add3A_116 = arith.addf %get3A_115, %dot_general3A_112 : vector<1000x128xf32>
    %swap3A = arith.constant 0 : index
    %swap3A_117 = arith.constant 0 : index
    %swap3A_118 = vector.load %arg12[%swap3A, %swap3A_117] : memref<1000x128xf32, #tpu.memory_space<vmem>>, vector<1000x128xf32>
    tpu.vector_store %arg12[%swap3A, %swap3A_117], %add3A_116 {strides = array<i32>} : memref<1000x128xf32, #tpu.memory_space<vmem>>, vector<1000x128xf32>,
    return
  }
  func.func @transform_0(%arg0: i32) -> (i32, i32) {
    %c0_i32 = arith.constant 0 : i32
    %c0_i32_0 = arith.constant 0 : i32
    return %arg0, %c0_i32 : i32, i32
  }
  func.func @transform_1(%arg0: i32) -> (i32, i32) {
    %c0_i32 = arith.constant 0 : i32
    %c0_i32_0 = arith.constant 0 : i32
    return %arg0, %c0_i32 : i32, i32
  }
  func.func @transform_2(%arg0: i32) -> (i32, i32) {
    %c0_i32 = arith.constant 0 : i32
    %c0_i32_0 = arith.constant 0 : i32
    return %arg0, %c0_i32 : i32, i32
  }
  func.func @transform_3(%arg0: i32) -> (i32, i32) {
    %c0_i32 = arith.constant 0 : i32
    %c0_i32_0 = arith.constant 0 : i32
    %c0_i32_1 = arith.constant 0 : i32
    return %c0_i32, %c0_i32_0 : i32, i32
  }
  func.func @transform_4(%arg0: i32) -> (i32, i32) {
    %c0_i32 = arith.constant 0 : i32
    %c0_i32_0 = arith.constant 0 : i32
    %c0_i32_1 = arith.constant 0 : i32
    return %c0_i32, %c0_i32_0 : i32, i32
  }
  func.func @transform_5(%arg0: i32) -> (i32, i32) {
    %c0_i32 = arith.constant 0 : i32
    %c0_i32_0 = arith.constant 0 : i32
    %c0_i32_1 = arith.constant 0 : i32
    return %c0_i32, %c0_i32_0 : i32, i32
  }
  func.func @transform_6(%arg0: i32) -> (i32, i32) {
    %c0_i32 = arith.constant 0 : i32
    %c0_i32_0 = arith.constant 0 : i32
    %c0_i32_1 = arith.constant 0 : i32
    return %c0_i32, %c0_i32_0 : i32, i32
  }
  func.func @transform_7(%arg0: i32) -> (i32, i32) {
    %c0_i32 = arith.constant 0 : i32
    %c0_i32_0 = arith.constant 0 : i32
    %c0_i32_1 = arith.constant 0 : i32
    return %c0_i32, %c0_i32_0 : i32, i32
  }
  func.func @transform_8(%arg0: i32) -> (i32, i32) {
    %c0_i32 = arith.constant 0 : i32
    %c0_i32_0 = arith.constant 0 : i32
    %c0_i32_1 = arith.constant 0 : i32
    return %c0_i32, %c0_i32_0 : i32, i32
  }
  func.func @transform_9(%arg0: i32) -> (i32, i32) {
    %c0_i32 = arith.constant 0 : i32
    %c0_i32_0 = arith.constant 0 : i32
    %c0_i32_1 = arith.constant 0 : i32
    return %c0_i32, %c0_i32_0 : i32, i32
  }
  func.func @transform_10(%arg0: i32) -> (i32, i32) {
    %c0_i32 = arith.constant 0 : i32
    %c0_i32_0 = arith.constant 0 : i32
    %c0_i32_1 = arith.constant 0 : i32
    return %c0_i32, %c0_i32_0 : i32, i32
  }
  func.func @transform_11(%arg0: i32) -> (i32, i32) {
    %c0_i32 = arith.constant 0 : i32
    %c0_i32_0 = arith.constant 0 : i32
    return %arg0, %c0_i32 : i32, i32
  }
}

</mosaic_0001>

<sc_bundles>
// kernel: kernel.5.cloned.1.call-start
scs
__scs_entry_jumppad:
0x0: {  	(pc) =	sbr.rel $0x88, $3  }
0x1: {  	(tag) =	ssettag $0x0;
	lr =	simm.s32 $0x1  }
0x2: {  	[smem:$0x3F97] =	sst lr;
	_ =	strace $0xD0000000  }
0x3: {  	_ = 	snop  }
0x4: {  	_ = 	snop  }
0x5: {  	_ = 	snop  }
0x6: {  	_ = 	snop  }
0x7: {  	_ = 	snop  }
__scs_overlays_trampoline_lowered:
0x8: {  	[smem:$0x3FA6] =	sst s0  }
0x9: {  	[smem:$0x3FA7] =	sst s1  }
0xa: {  	[smem:$0x3FA8] =	sst s2  }
0xb: {  	[smem:$0x3FA9] =	sst s3  }
0xc: {  	[smem:$0x3FAA] =	sst s4  }
0xd: {  	[smem:$0x3FAB] =	sst s5  }
0xe: {  	[smem:$0x3FAC] =	sst s6  }
0xf: {  	[smem:$0x3FAD] =	sst s7  }
0x10: {  	[smem:$0x3FAE] =	sst s8  }
0x11: {  	[smem:$0x3FAF] =	sst s9;
	s0 =	simm.s32 @!p0 $0x0  }
0x12: {  	s1 =	sld [smem:$0x3F95];
	s0 =	simm.s32 @p0 $0x1  }
0x13: {  	[smem:$0x3FB0] =	sst s0;
	s0 =	simm.s32 @!p1 $0x0  }
0x14: {  	s2 =	sld [smem:$0x3F94];
	s0 =	simm.s32 @p1 $0x1  }
0x15: {  	[smem:$0x3FB1] =	sst s0;
	s0 =	simm.s32 @!p2 $0x0  }
0x16: {  	s3 =	sld [smem:$0x3FDB];
	s0 =	simm.s32 @p2 $0x1  }
0x17: {  	s4 =	simm.s32 $0x1BF5;
	[smem:$0x3FB3] =	sst s0  }
0x18: {  	s0 =	sld [smem:$0x3F96];
	_ =	swait.ge [sflag:s4], $0x0  }
0x19: {  	s7 =	sld [smem:$0x3F97]  }
0x1a: {  	s8 =	sadd.s32 $0xFFFFE003, lr  }
0x1b: {  	s9 =	sadd.s32 $0xFFFFFEF7, lr;
	s5 =	simm.s32 $0xFFFFFFFF;
	p2 =	slt.u32 s8, $0xFFFFF086  }
0x1c: {  	p1 =	slt.u32 s9, $0xF7A;
	s5 =	simm.s32 @!p2 $0x0  }
0x1d: {  	s5 =	simm.s32 @p1 $0x1;
	p0 =	seq.s32 s7, s2  }
0x1e: {  	s7 =	smul.u32 @!p0 $0xF7A, s2;
	p2 =	seq.s32 @!p0 s5, $0x0  }
0x1f: {  	s9 =	smul.u32 $0xF7A, s1;
	s8 =	simm.s32 @!p0 $0x1BF5;
	p2 =	por !p2, p0  }
0x20: {  	[sflag:s8] =	ssyncset.s32 @!p0 $0xFFFFF086;
	s6 =	sadd.s32 @!p0 s3, s7;
	s7 =	simm.s32 @!p0 $0x108  }
0x21: {  	s3 =	sadd.s32 s3, s9;
	s6 =	sadd.s32 @!p0 $0x88, s6;
	s7 =	simm.s32 @p2 $0x1082  }
0x22: {  	[simem:s7], [sflag:s8] =	dma.local @!p0 [hbm:s6], $0xF7A  }
0x23: {  	s9 =	sor.u32 $0xD0000000, s2;
	s6 =	simm.s32 $0x108;
	_ =	swait.ge @!p0 [sflag:s8], $0x0  }
0x24: {  	s3 =	sadd.s32 $0x88, s3;
	s6 =	simm.s32 @!p1 $0x1082;
	[sflag:s4] =	ssyncset.s32 $0xFFFFF086  }
0x25: {  	[simem:s6], [sflag:s4] =	dma.local [hbm:s3], $0xF7A  }
0x26: {  	[smem:$0x3F97] =	sst s1;
	(tag) =	ssettag s2;
	_ =	strace s9  }
0x27: {  	s1 =	sld [smem:$0x3FA7]  }
0x28: {  	s2 =	sld [smem:$0x3FA8]  }
0x29: {  	s4 =	sld [smem:$0x3FAA]  }
0x2a: {  	p0 =	seq.s32 s5, $0x0;
	s5 =	sld [smem:$0x3FAB]  }
0x2b: {  	s6 =	sld [smem:$0x3FAC]  }
0x2c: {  	s7 =	sld [smem:$0x3FAD]  }
0x2d: {  	s3 =	simm.s32 $0x108;
	s8 =	sld [smem:$0x3FAE]  }
0x2e: {  	s3 =	simm.s32 @!p0 $0x1082;
	s9 =	sld [smem:$0x3FAF]  }
0x2f: {  	lr =	sadd.s32 s0, s3;
	s0 =	sld [smem:$0x3FA6]  }
0x30: {  	s3 =	sld [smem:$0x3FA9]  }
0x31: {  	[smem:$0x3FB2] =	sst s10  }
0x32: {  	s10 =	sld [smem:$0x3FB0];
	_ =	sdelay $0x3  }
0x33: {  	p0 =	seq.s32 s10, $0x1;
	s10 =	sld [smem:$0x3FB2];
	_ =	sdelay $0x3  }
0x34: {  	[smem:$0x3FB2] =	sst s10  }
0x35: {  	s10 =	sld [smem:$0x3FB1];
	_ =	sdelay $0x3  }
0x36: {  	p1 =	seq.s32 s10, $0x1;
	s10 =	sld [smem:$0x3FB2];
	_ =	sdelay $0x3  }
0x37: {  	[smem:$0x3FB2] =	sst s10  }
0x38: {  	s10 =	sld [smem:$0x3FB3]  }
0x39: {  	_ = 	snop;
	(pc) =	sbr.ind lr, $3  }
0x3a: {  	_ = 	snop  }
0x3b: {  	_ = 	snop  }
0x3c: {  	p2 =	seq.s32 s10, $0x1;
	s10 =	sld [smem:$0x3FB2]  }
0x3d: {  	_ =	shalt  }
0x3e: {  	_ =	shalt  }
0x3f: {  	_ =	shalt  }
0x40: {  	_ =	shalt  }
0x41: {  	_ =	shalt  }
0x42: {  	_ =	shalt  }
0x43: {  	_ =	shalt  }
0x44: {  	_ =	shalt  }
0x45: {  	_ =	shalt  }
0x46: {  	_ =	shalt  }
0x47: {  	_ =	shalt  }
0x48: {  	_ =	shalt  }
0x49: {  	_ =	shalt  }
0x4a: {  	_ =	shalt  }
0x4b: {  	_ =	shalt  }
0x4c: {  	_ =	shalt  }
0x4d: {  	_ =	shalt  }
0x4e: {  	_ =	shalt  }
0x4f: {  	_ =	shalt  }
0x50: {  	_ =	shalt  }
0x51: {  	_ =	shalt  }
0x52: {  	_ =	shalt  }
0x53: {  	_ =	shalt  }
0x54: {  	_ =	shalt  }
0x55: {  	_ =	shalt  }
0x56: {  	_ =	shalt  }
0x57: {  	_ =	shalt  }
0x58: {  	_ =	shalt  }
0x59: {  	_ =	shalt  }
0x5a: {  	_ =	shalt  }
0x5b: {  	_ =	shalt  }
0x5c: {  	_ =	shalt  }
0x5d: {  	_ =	shalt  }
0x5e: {  	_ =	shalt  }
0x5f: {  	_ =	shalt  }
0x60: {  	_ =	shalt  }
0x61: {  	_ =	shalt  }
0x62: {  	_ =	shalt  }
0x63: {  	_ =	shalt  }
0x64: {  	_ =	shalt  }
0x65: {  	_ =	shalt  }
0x66: {  	_ =	shalt  }
0x67: {  	_ =	shalt  }
0x68: {  	_ =	shalt  }
0x69: {  	_ =	shalt  }
0x6a: {  	_ =	shalt  }
0x6b: {  	_ =	shalt  }
0x6c: {  	_ =	shalt  }
0x6d: {  	_ =	shalt  }
0x6e: {  	_ =	shalt  }
0x6f: {  	_ =	shalt  }
0x70: {  	_ =	shalt  }
0x71: {  	_ =	shalt  }
0x72: {  	_ =	shalt  }
0x73: {  	_ =	shalt  }
0x74: {  	_ =	shalt  }
0x75: {  	_ =	shalt  }
0x76: {  	_ =	shalt  }
0x77: {  	_ =	shalt  }
0x78: {  	_ =	shalt  }
0x79: {  	_ =	shalt  }
0x7a: {  	_ =	shalt  }
0x7b: {  	_ =	shalt  }
0x7c: {  	_ =	shalt  }
0x7d: {  	_ =	shalt  }
0x7e: {  	_ =	shalt  }
0x7f: {  	_ =	shalt  }
0x80: {  	_ =	shalt  }
0x81: {  	_ =	shalt  }
0x82: {  	_ =	shalt  }
0x83: {  	_ =	shalt  }
0x84: {  	_ =	shalt  }
0x85: {  	_ =	shalt  }
0x86: {  	_ =	shalt  }
0x87: {  	_ =	shalt  }
.Lfunc_end0:
.L_simem_size_0:
called_computation_lowered:
.L_overlay_start_0:
0x88: {  	s2 =	sld [smem:$0x3FD9]  }
0x89: {  	s3 =	sld [smem:$0x3FFE];
	_ =	sdelay $0x1  }
0x8a: {  	s1 =	srdreg.scid  }
0x8b: {  	s0 =	sand.u32 $0x1, s1  }
0x8c: {  	s17 =	sshll.u32 s0, $0xA;
	s2 =	sadd.s32 s3, s2  }
0x8d: {  	s2 =	sadd.s32 s2, s17  }
0x8e: {  	[smem:$0x3FBE] =	sst s2  }
0x8f: {  	_ = 	snop  }
0x90: {  	s2 =	sld [smem:$0x3FD0];
	(tm) =	ssettm $0x1  }
0x91: {  	s18 =	sld [smem:$0x3FFB];
	_ =	sdelay $0x3  }
0x92: {  	_ =	strace s18  }
0x93: {  	s3 =	sld [smem:$0x3FFC];
	_ =	sdelay $0x3  }
0x94: {  	_ =	strace s3  }
0x95: {  	s3 =	sld [smem:$0x3FFD];
	_ =	sdelay $0x3  }
0x96: {  	_ =	strace s3  }
0x97: {  	_ =	strace $0x8FFFFFFF  }
0x98: {  	s19 =	sld [smem:$0x3FDB];
	_ =	sdelay $0x1  }
0x99: {  	s4 =	simm.s32 $_scs_section_size  }
0x9a: {  	s5 =	simm.s32 $_size__tile_overlayer_lowered;
	s6 =	simm.s32 $_tile_overlayer_lowered  }
0x9b: {  	s22 =	simm.s32 $0x1BFF;
	s21 =	sshll.u32 s6, $0x1;
	s3 =	sadd.s32 s4, s19  }
0x9c: {  	s7 =	simm.s32 $0x0;
	s20 =	sshll.u32 s5, $0x1;
	s5 =	sadd.s32 s21, s3  }
0x9d: {  	[timem:s7], [sflag:s22] =	dma.local [hbm:s5], s20  }
0x9e: {  	_ =	swait.ge [sflag:s22], s20  }
0x9f: {  	s4 =	ssub.s32 $0x0, s20;
	[sflag:s22] =	ssyncset.done $0x0  }
0xa0: {  	[sflag:s22] =	ssyncadd.s32 s4;
	_ =	sdelay $0x1  }
0xa1: {  	s23 =	simm.s32 $0x1B8B  }
0xa2: {  	_ =	swait.ge [sflag:s23], $0x1  }
0xa3: {  	[sflag:s23] =	ssyncset.done $0x0  }
0xa4: {  	s25 =	simm.s32 $0x1B8E;
	s24 =	sld [smem:$0x3FFE];
	[sflag:s23] =	ssyncadd.s32 $0xFFFFFFFF  }
0xa5: {  	s26 =	simm.s32 $execute0_lowered;
	[smem:$0x3FD2] =	sst s25  }
0xa6: {  	s5 =	sshll.u32 s26, $0x1;
	_ =	strace $0x80000046;
	[dreg:$0x1] =	wrdreg $0xFFFFFFFF  }
0xa7: {  	s28 =	simm.s32 $_size_execute0_lowered;
	s3 =	sadd.s32 s3, s5;
	[dreg:$0x0] =	wrdreg $0x0  }
0xa8: {  	s5 =	sshll.u32 s28, $0x1;
	[dreg:$0x2] =	wrdreg s3  }
0xa9: {  	[dreg:$0x3] =	wrdreg s5  }
0xaa: {  	[dreg:$0x4] =	wrdreg $0xC0  }
0xab: {  	_ =	task [dreg:s7], $0x5FFFF  }
0xac: {  	[dreg:$0x1] =	wrdreg $0xFFFFFFFF  }
0xad: {  	[dreg:$0x0] =	wrdreg $0x60  }
0xae: {  	[dreg:$0x2] =	wrdreg s2  }
0xaf: {  	[dreg:$0x3] =	wrdreg s24  }
0xb0: {  	[dreg:$0x4] =	wrdreg $0x9  }
0xb1: {  	_ =	task.clear_ibuf [dreg:s7], $0x5FFFF;
	_ =	strace $0x90000046  }
0xb2: {  	s29 =	simm.s32 $0x9;
	_ =	strace $0x80000048  }
0xb3: {  	_ =	swait.ge [sflag:s29], $0x1  }
0xb4: {  	[sflag:s29] =	ssyncadd.s32 $0xFFFFFFFF  }
0xb5: {  	_ =	strace $0x90000048  }
0xb6: {  	_ =	sfence  }
0xb7: {  	s30 =	sld [smem:$0x0];
	_ =	sdelay $0x2  }
0xb8: {  	s31 =	sshll.u32 s1, $0xD;
	s1 =	sshrl.u32 s1, $0x2  }
0xb9: {  	s3 =	sand.u32 $0x4000, s31;
	s1 =	sadd.s32 s1, s30  }
0xba: {  	s0 =	sor.u32 s3, s0;
	s1 =	sshll.u32 s1, $0x11  }
0xbb: {  	s0 =	sor.u32 s1, s0  }
0xbc: {  	s0 =	sadd.s32 $0x8F2B, s0  }
0xbd: {  	[sflag:s0] =	ssyncadd.remote.s32 $0x1  }
0xbe: {  	_ =	sfence.sel $0xFFFF  }
0xbf: {  	[dreg:$0x0] =	wrdreg $0xFFFFFFFF;
	(pc) =	sbr.abs _section_cstart, $3  }
0xc0: {  	[dreg:$0x1] =	wrdreg $0xFFFFFFFF  }
0xc1: {  	_ =	task.clear_ibuf [dreg:s7], $0x2FFFF;
	_ =	strace $0x9FFFFFFF  }
0xc2: {  	(tm) =	ssettm $0x7FFFFFFF  }
0xc3: {  	_ =	shalt  }
tec
execute0_lowered:
.L_overlay_start_1:
0x0: {  	(tag) =	ssettag $0x1  }
0x1: {  	s2 =	rddreg [dreg:$0x0];
	s1 =	srdreg.scid  }
0x2: {  	s0 =	stileid.u32;
	s6 =	rddreg [dreg:$0x1];
	s11 =	simm.s32 $0x80  }
0x3: {  	s12 =	simm.s32 $0x50;
	s13 =	simm.s32 $0x100;
	s14 =	simm.s32 $0x2900  }
0x4: {  	s15 =	simm.s32 $0x1;
	s16 =	simm.s32 $0x2;
	s17 =	simm.s32 $0x5100  }
0x5: {  	s18 =	simm.s32 $0x7880;
	s4 =	sand.u32 $0x1, s1;
	s3 =	sshll.u32 s0, $0x1  }
0x6: {  	s19 =	simm.s32 $0x400;
	s5 =	sshrl.u32 s0, $0x2;
	s7 =	sor.u32 s4, s3  }
0x7: {  	s20 =	simm.s32 $0x0;
	s5 =	smul.u32 $0x13C00, s5;
	s8 =	sshll.u32 s7, $0x7  }
0x8: {  	s1 =	rddreg [dreg:$0x2];
	s3 =	simm.s32 $0x0;
	s8 =	sand.u32 $0x380, s8  }
0x9: {  	v0 =	vlaneseq.u32;
	s31 =	ssub.s32 $0x2, s4;
	s4 =	sadd.s32 $0xB400, s6;
	s5 =	sor.u32 s5, s8  }
0xa: {  	v0 =	vmul.u32 $0x80, v0;
	[smem:$0x7FF] =	sst s3;
	s10 =	sshrl.u32 s31, $0x1;
	s9 =	sshrl.u32 s5, $0x3  }
0xb: {  	_ =	strace $0x80000047;
	s10 =	ssub.s32 s31, s10;
	s9 =	sadd.s32 s9, s6  }
0xc: {  	v1 =	vimm.f32 $0.0e+00;
	v2 =	vimm.f32 $1.000000000e+00;
	v3 =	vor.u32 $0x800, v0;
	s5 =	sadd.s32 $0x1600, s6;
	s6 =	smul.u32 $0x2710, s7;
	s7 =	sadd.s32 $0x15200, s9  }
0xd: {  	v4 =	vor.u32 $0x1000, v0;
	v5 =	vor.u32 $0x1800, v0;
	v6 =	vor.u32 $0x2000, v0;
	s8 =	sadd.s32 $0x1F000, s9;
	s9 =	smax.u32 s10, $0x1;
	s10 =	simm.s32 $0x3  }
.LBB2_1:
0xe: {  	s21 =	simm.s32 $0x0  }
.LBB2_2:
0xf: {  	p0 =	sne.s32 s21, $0x9C00  }
.Ltmp0:
0x10: {  	_ = 	snop;
	(pc) =	sbr.rel @p0 .LBB2_2-.Ltmp0, $4  }
0x11: {  	_ = 	snop  }
0x12: {  	s22 =	sshra.s32 s21, $0x2  }
0x13: {  	[tilespmem:s22+$0x5100] =	vst v1  }
0x14: {  	s21 =	sadd.s32 $0x40, s21;
	[tilespmem:s22+$0x7880] =	vst v1  }
0x15: {  	s21 =	simm.s32 $0x0  }
.LBB2_4:
0x16: {  	s22 =	smul.u32 $0x50, s21;
	_ =	sdelay $0x1  }
0x17: {  	s22 =	sadd.s32 s6, s22  }
0x18: {  	s22 =	sshrl.u32 s22, $0x3  }
0x19: {  	s23 =	sadd.s32 s4, s22  }
0x1a: {  	[tilespmem:s3], [sflag:$0x3] =	stream.linear.gather [hbm4b:s23+s3], $0x50, $0x38;
	[tilespmem:$0xA000] =	vst v63  }
0x1b: {  	_ =	swait.ge [sflag:s10], $0x50  }
0x1c: {  	[sflag:s10] =	ssyncset.done $0x0  }
0x1d: {  	s22 =	sadd.s32 s5, s22;
	[sflag:s10] =	ssyncadd.s32 $0xFFFFFFB0  }
0x1e: {  	[tilespmem:s11], [sflag:$0x3] =	stream.linear.gather [hbm4b:s22+s3], $0x50, $0x38;
	[tilespmem:$0xA000] =	vst v63  }
0x1f: {  	_ =	swait.ge [sflag:s10], $0x50  }
0x20: {  	[sflag:s10] =	ssyncset.done $0x0  }
0x21: {  	s30 =	simm.s32 $0x0;
	[sflag:s10] =	ssyncadd.s32 $0xFFFFFFB0  }
0x22: {  	v7 =	vmov s30;
	[tilespmem:s13], [sflag:$0x1] =	stream.indirect.gather [hbm4b:s2+s12], $0x80, s3, s12, $0xb8;
	[tilespmem:$0xA000] =	vst v63  }
0x23: {  	s31 =	simm.s32 $0x1;
	v7 =	vand.u32 $0x78, v7  }
0x24: {  	v8 =	vmov s31;
	v7 =	vbroadcast v7, $0x0;
	[tilespmem:s14], [sflag:$0x2] =	stream.indirect.gather [hbm4b:s2+s12], $0x80, s11, s12, $0xb8;
	[tilespmem:$0xA000] =	vst v63  }
0x25: {  	v8 =	vand.u32 $0x79, v8;
	s23 =	simm.s32 $0x2;
	_ =	swait.ge [sflag:s15], $0x2800  }
0x26: {  	v8 =	vbroadcast v8, $0x0;
	v7 =	vor.u32 v0, v7;
	v9 =	vmov s23;
	[sflag:s15] =	ssyncset.done $0x0  }
0x27: {  	s24 =	simm.s32 $0x3;
	v9 =	vand.u32 $0x7A, v9;
	[sflag:s15] =	ssyncadd.s32 $0xFFFFD800  }
0x28: {  	v10 =	vmov s24;
	v8 =	vor.u32 v0, v8;
	v9 =	vbroadcast v9, $0x0;
	_ =	swait.ge [sflag:s16], $0x2800  }
0x29: {  	s25 =	simm.s32 $0x4;
	v10 =	vand.u32 $0x7B, v10;
	[sflag:s16] =	ssyncset.done $0x0  }
0x2a: {  	v11 =	vmov s25;
	v10 =	vbroadcast v10, $0x0;
	v9 =	vor.u32 v0, v9;
	[sflag:s16] =	ssyncadd.s32 $0xFFFFD800  }
0x2b: {  	s26 =	simm.s32 $0x5;
	v11 =	vand.u32 $0x7C, v11;
	v14 =	vld.idx.msk [tilespmem:v7+s13+$0x0], $0xffff  }
0x2c: {  	s28 =	simm.s32 $0x6;
	v12 =	vmov s26;
	v21 =	vor.u32 v0, v10;
	v10 =	vbroadcast v11, $0x0;
	v15 =	vld.idx.msk [tilespmem:v7+s14+$0x0], $0xffff  }
0x2d: {  	v11 =	vand.u32 $0x7D, v12;
	v12 =	vmov s28;
	v7 =	vld.idx.msk [tilespmem:v8+s13+$0x0], $0xffff  }
0x2e: {  	s29 =	simm.s32 $0x7;
	v17 =	vbroadcast v11, $0x0;
	v13 =	vand.u32 $0x7E, v12;
	v12 =	vor.u32 v0, v10;
	v11 =	vld.idx.msk [tilespmem:v8+s14+$0x0], $0xffff  }
0x2f: {  	v16 =	vimm.f32 $0.0e+00;
	v18 =	vmov s29;
	s30 =	simm.s32 $0x8;
	v8 =	vld.idx.msk [tilespmem:v9+s13+$0x0], $0xffff  }
0x30: {  	s31 =	simm.s32 $0x9;
	v19 =	vmov s30;
	v22 =	vbroadcast v13, $0x0;
	v10 =	vor.u32 v0, v17;
	v13 =	vld.idx.msk [tilespmem:v9+s14+$0x0], $0xffff  }
0x31: {  	v20 =	vand.u32 $0x7F, v18;
	v18 =	vmov s31;
	v19 =	vand.u32 $0x78, v19;
	v9 =	vld.idx.msk [tilespmem:v21+s13+$0x0], $0xffff  }
0x32: {  	s24 =	simm.s32 $0xA;
	s23 =	simm.s32 $0x17;
	v17 =	vbroadcast v20, $0x0;
	s22 =	simm.s32 $0xF;
	v20 =	vmul.f32 v15, v14;
	v15 =	vld.idx.msk [tilespmem:v21+s14+$0x0], $0xffff;
	v14 =	vor.u32 v0, v22  }
.LBB2_5:
0x33: {  	p0 =	sne.s32 s23, $0x7F;
	v19 =	vbroadcast v19, $0x0;
	v18 =	vand.u32 $0x79, v18;
	v21 =	vmov s24;
	v22 =	vld.idx.msk [tilespmem:v12+s13+$0x0], $0xffff  }
0x34: {  	s24 =	sadd.s32 $0xFFFFFFFC, s22;
	v7 =	vmul.f32 v11, v7;
	v16 =	vadd.f32 v20, v16;
	v11 =	vld.idx.msk [tilespmem:v12+s14+$0x0], $0xffff;
	v12 =	vor.u32 v0, v17  }
0x35: {  	v17 =	vbroadcast v18, $0x0;
	v18 =	vand.u32 $0x7A, v21;
	v20 =	vmov s24;
	v21 =	vld.idx.msk [tilespmem:v10+s13+$0x0], $0xffff  }
0x36: {  	s24 =	sadd.s32 $0xFFFFFFFD, s22;
	v19 =	vor.u32 v0, v19;
	v8 =	vmul.f32 v13, v8;
	v7 =	vadd.f32 v7, v16;
	v10 =	vld.idx.msk [tilespmem:v10+s14+$0x0], $0xffff  }
0x37: {  	v13 =	vbroadcast v18, $0x0;
	v18 =	vmov s24;
	v16 =	vand.u32 $0x7B, v20;
	v20 =	vld.idx.msk [tilespmem:v14+s13+$0x0], $0xffff  }
0x38: {  	s24 =	sadd.s32 $0xFFFFFFFE, s22;
	v17 =	vor.u32 v0, v17;
	v7 =	vadd.f32 v8, v7;
	v8 =	vmul.f32 v15, v9;
	v9 =	vld.idx.msk [tilespmem:v14+s14+$0x0], $0xffff  }
0x39: {  	v14 =	vbroadcast v16, $0x0;
	v15 =	vand.u32 $0x7C, v18;
	v16 =	vmov s24;
	v18 =	vld.idx.msk [tilespmem:v12+s13+$0x0], $0xffff  }
0x3a: {  	v13 =	vor.u32 v0, v13;
	s24 =	sadd.s32 $0xFFFFFFFF, s22;
	v7 =	vadd.f32 v8, v7;
	v8 =	vmul.f32 v11, v22;
	v22 =	vld.idx.msk [tilespmem:v12+s14+$0x0], $0xffff  }
0x3b: {  	v12 =	vbroadcast v15, $0x0;
	v11 =	vand.u32 $0x7D, v16;
	v15 =	vmov s24;
	v23 =	vld.idx.msk [tilespmem:v19+s13+$0x0], $0xffff  }
0x3c: {  	v14 =	vor.u32 v0, v14;
	v10 =	vmul.f32 v10, v21;
	v16 =	vld.idx.msk [tilespmem:v19+s14+$0x0], $0xffff;
	v8 =	vadd.f32 v8, v7  }
0x3d: {  	v15 =	vand.u32 $0x7E, v15;
	v21 =	vmov s22;
	s22 =	smov.u32 s23;
	v19 =	vbroadcast v11, $0x0;
	v7 =	vld.idx.msk [tilespmem:v17+s13+$0x0], $0xffff  }
.Ltmp1:
0x3e: {  	s24 =	sadd.s32 $0xFFFFFFF9, s23;
	v12 =	vor.u32 v0, v12;
	v9 =	vmul.f32 v9, v20;
	v11 =	vld.idx.msk [tilespmem:v17+s14+$0x0], $0xffff;
	v17 =	vadd.f32 v10, v8;
	(pc) =	sbr.rel @p0 .LBB2_5-.Ltmp1, $4  }
0x3f: {  	v24 =	vbroadcast v15, $0x0;
	v15 =	vand.u32 $0x7F, v21;
	v20 =	vmov s24;
	v8 =	vld.idx.msk [tilespmem:v13+s13+$0x0], $0xffff  }
0x40: {  	s24 =	sadd.s32 $0xFFFFFFFA, s23;
	v10 =	vor.u32 v0, v19;
	v22 =	vmul.f32 v22, v18;
	v13 =	vld.idx.msk [tilespmem:v13+s14+$0x0], $0xffff;
	v21 =	vadd.f32 v9, v17  }
0x41: {  	v19 =	vand.u32 $0x78, v20;
	v18 =	vmov s24;
	v17 =	vbroadcast v15, $0x0;
	v9 =	vld.idx.msk [tilespmem:v14+s13+$0x0], $0xffff  }
0x42: {  	s23 =	sadd.s32 $0x8, s23;
	s24 =	sadd.s32 $0xFFFFFFFB, s22;
	v20 =	vmul.f32 v16, v23;
	v15 =	vld.idx.msk [tilespmem:v14+s14+$0x0], $0xffff;
	v14 =	vor.u32 v0, v24;
	v16 =	vadd.f32 v22, v21  }
0x43: {  	_ =	sdelay $0x3  }
0x44: {  	v21 =	vld.idx.msk [tilespmem:v12+s13+$0x0], $0xffff;
	v7 =	vmul.f32 v11, v7;
	v16 =	vadd.f32 v20, v16  }
0x45: {  	v11 =	vbroadcast v19, $0x0;
	v12 =	vld.idx.msk [tilespmem:v12+s14+$0x0], $0xffff;
	v17 =	vor.u32 v0, v17  }
0x46: {  	v18 =	vand.u32 $0x79, v18;
	v19 =	vld.idx.msk [tilespmem:v10+s13+$0x0], $0xffff;
	v8 =	vmul.f32 v13, v8;
	v7 =	vadd.f32 v7, v16  }
0x47: {  	v10 =	vld.idx.msk [tilespmem:v10+s14+$0x0], $0xffff;
	v13 =	vmov s24;
	v11 =	vor.u32 v0, v11;
	v16 =	vbroadcast v18, $0x0  }
0x48: {  	s23 =	sadd.s32 $0xFFFFFFFC, s22;
	v13 =	vand.u32 $0x7A, v13;
	v18 =	vld.idx.msk [tilespmem:v14+s13+$0x0], $0xffff;
	v7 =	vadd.f32 v8, v7;
	v8 =	vmul.f32 v15, v9  }
0x49: {  	v14 =	vld.idx.msk [tilespmem:v14+s14+$0x0], $0xffff;
	v13 =	vbroadcast v13, $0x0;
	v9 =	vmov s23;
	v15 =	vor.u32 v0, v16  }
0x4a: {  	s26 =	sadd.s32 $0xFFFFFFFD, s22;
	v16 =	vld.idx.msk [tilespmem:v17+s13+$0x0], $0xffff;
	v9 =	vand.u32 $0x7B, v9;
	v7 =	vadd.f32 v8, v7;
	v8 =	vmul.f32 v12, v21  }
0x4b: {  	v17 =	vld.idx.msk [tilespmem:v17+s14+$0x0], $0xffff;
	v13 =	vor.u32 v0, v13;
	v12 =	vmov s26;
	v9 =	vbroadcast v9, $0x0  }
0x4c: {  	s28 =	sadd.s32 $0xFFFFFFFE, s22;
	v20 =	vld.idx.msk [tilespmem:v11+s13+$0x0], $0xffff;
	v12 =	vand.u32 $0x7C, v12;
	v7 =	vadd.f32 v8, v7;
	v8 =	vmul.f32 v10, v19  }
0x4d: {  	v11 =	vld.idx.msk [tilespmem:v11+s14+$0x0], $0xffff;
	v10 =	vmov s28;
	v12 =	vbroadcast v12, $0x0;
	v9 =	vor.u32 v0, v9  }
0x4e: {  	s29 =	sadd.s32 $0xFFFFFFFF, s22;
	v10 =	vand.u32 $0x7D, v10;
	v19 =	vld.idx.msk [tilespmem:v15+s13+$0x0], $0xffff;
	v7 =	vadd.f32 v8, v7;
	v8 =	vmul.f32 v14, v18  }
0x4f: {  	v15 =	vld.idx.msk [tilespmem:v15+s14+$0x0], $0xffff;
	v14 =	vmov s29;
	v10 =	vbroadcast v10, $0x0;
	v12 =	vor.u32 v0, v12  }
0x50: {  	v18 =	vld.idx.msk [tilespmem:v13+s13+$0x0], $0xffff;
	v14 =	vand.u32 $0x7E, v14;
	v7 =	vadd.f32 v8, v7;
	v8 =	vmul.f32 v17, v16  }
0x51: {  	v13 =	vld.idx.msk [tilespmem:v13+s14+$0x0], $0xffff;
	v16 =	vmov s22;
	v14 =	vbroadcast v14, $0x0;
	v10 =	vor.u32 v0, v10  }
0x52: {  	v11 =	vmul.f32 v11, v20;
	v16 =	vand.u32 $0x7F, v16;
	v17 =	vld.idx.msk [tilespmem:v9+s13+$0x0], $0xffff;
	v7 =	vadd.f32 v8, v7  }
0x53: {  	v9 =	vld.idx.msk [tilespmem:v9+s14+$0x0], $0xffff;
	v8 =	vbroadcast v16, $0x0;
	v14 =	vor.u32 v0, v14  }
0x54: {  	v16 =	vld.idx.msk [tilespmem:v12+s13+$0x0], $0xffff;
	v7 =	vadd.f32 v11, v7;
	v11 =	vmul.f32 v15, v19  }
0x55: {  	v12 =	vld.idx.msk [tilespmem:v12+s14+$0x0], $0xffff;
	v8 =	vor.u32 v0, v8  }
0x56: {  	v15 =	vld.idx.msk [tilespmem:v10+s13+$0x0], $0xffff;
	v7 =	vadd.f32 v11, v7;
	v11 =	vmul.f32 v13, v18  }
0x57: {  	v10 =	vld.idx.msk [tilespmem:v10+s14+$0x0], $0xffff  }
0x58: {  	v9 =	vmul.f32 v9, v17;
	v13 =	vld.idx.msk [tilespmem:v14+s13+$0x0], $0xffff;
	v7 =	vadd.f32 v11, v7  }
0x59: {  	v11 =	vld.idx.msk [tilespmem:v14+s14+$0x0], $0xffff  }
0x5a: {  	v14 =	vld.idx.msk [tilespmem:v8+s13+$0x0], $0xffff;
	v7 =	vadd.f32 v9, v7;
	v9 =	vmul.f32 v12, v16  }
0x5b: {  	v8 =	vld.idx.msk [tilespmem:v8+s14+$0x0], $0xffff  }
0x5c: {  	s30 =	simm.s32 $0x0;
	v7 =	vadd.f32 v9, v7;
	v9 =	vmul.f32 v10, v15;
	v10 =	vld [tilespmem:$0x80]  }
0x5d: {  	v12 =	vmov s30  }
0x5e: {  	s31 =	simm.s32 $0x1;
	v7 =	vadd.f32 v9, v7;
	v9 =	vmul.f32 v11, v13;
	v11 =	vand.u32 $0x78, v12  }
0x5f: {  	v12 =	vmov s31;
	v11 =	vbroadcast v11, $0x0  }
0x60: {  	s23 =	simm.s32 $0x2;
	v8 =	vmul.f32 v8, v14;
	v7 =	vadd.f32 v9, v7;
	v9 =	vand.u32 $0x79, v12  }
0x61: {  	v12 =	vmov s23;
	v9 =	vbroadcast v9, $0x0;
	v11 =	vor.u32 v3, v11  }
0x62: {  	s24 =	simm.s32 $0x3;
	v7 =	vadd.f32 v8, v7;
	v8 =	vand.u32 $0x7A, v12  }
0x63: {  	v12 =	vmov s24;
	v8 =	vbroadcast v8, $0x0;
	v9 =	vor.u32 v3, v9  }
0x64: {  	s25 =	simm.s32 $0x4;
	[tilespmem:v10+s17+$0x0] =	vst.idx.add.f32.msk $0xffff, v7;
	v7 =	vand.u32 $0x7B, v12  }
0x65: {  	[tilespmem:v10+s18+$0x0] =	vst.idx.add.f32.msk $0xffff, v2;
	v7 =	vbroadcast v7, $0x0;
	v10 =	vor.u32 v3, v8;
	v8 =	vmov s25  }
0x66: {  	s26 =	simm.s32 $0x5;
	v14 =	vld.idx.msk [tilespmem:v11+s13+$0x0], $0xffff;
	v8 =	vand.u32 $0x7C, v8  }
0x67: {  	s28 =	simm.s32 $0x6;
	v12 =	vmov s26;
	v15 =	vld.idx.msk [tilespmem:v11+s14+$0x0], $0xffff;
	v21 =	vor.u32 v3, v7;
	v8 =	vbroadcast v8, $0x0  }
0x68: {  	v11 =	vand.u32 $0x7D, v12;
	v12 =	vmov s28;
	v7 =	vld.idx.msk [tilespmem:v9+s13+$0x0], $0xffff  }
0x69: {  	s29 =	simm.s32 $0x7;
	s30 =	simm.s32 $0x8;
	v17 =	vbroadcast v11, $0x0;
	v11 =	vld.idx.msk [tilespmem:v9+s14+$0x0], $0xffff;
	v9 =	vand.u32 $0x7E, v12;
	v12 =	vor.u32 v3, v8  }
0x6a: {  	v18 =	vmov s30;
	v13 =	vmov s29;
	v8 =	vld.idx.msk [tilespmem:v10+s13+$0x0], $0xffff  }
0x6b: {  	s31 =	simm.s32 $0x9;
	v20 =	vand.u32 $0x7F, v13;
	v22 =	vbroadcast v9, $0x0;
	v13 =	vld.idx.msk [tilespmem:v10+s14+$0x0], $0xffff;
	v10 =	vor.u32 v3, v17  }
0x6c: {  	v16 =	vimm.f32 $0.0e+00;
	v19 =	vand.u32 $0x78, v18;
	v18 =	vmov s31;
	v9 =	vld.idx.msk [tilespmem:v21+s13+$0x0], $0xffff  }
0x6d: {  	s22 =	simm.s32 $0xF;
	s23 =	simm.s32 $0x17;
	s24 =	simm.s32 $0xA;
	v17 =	vbroadcast v20, $0x0;
	v20 =	vmul.f32 v15, v14;
	v14 =	vor.u32 v3, v22;
	v15 =	vld.idx.msk [tilespmem:v21+s14+$0x0], $0xffff  }
.LBB2_7:
0x6e: {  	p0 =	sne.s32 s23, $0x7F;
	v19 =	vbroadcast v19, $0x0;
	v18 =	vand.u32 $0x79, v18;
	v21 =	vmov s24;
	v22 =	vld.idx.msk [tilespmem:v12+s13+$0x0], $0xffff  }
0x6f: {  	s24 =	sadd.s32 $0xFFFFFFFC, s22;
	v7 =	vmul.f32 v11, v7;
	v16 =	vadd.f32 v20, v16;
	v11 =	vld.idx.msk [tilespmem:v12+s14+$0x0], $0xffff;
	v12 =	vor.u32 v3, v17  }
0x70: {  	v17 =	vbroadcast v18, $0x0;
	v18 =	vand.u32 $0x7A, v21;
	v20 =	vmov s24;
	v21 =	vld.idx.msk [tilespmem:v10+s13+$0x0], $0xffff  }
0x71: {  	s24 =	sadd.s32 $0xFFFFFFFD, s22;
	v19 =	vor.u32 v3, v19;
	v8 =	vmul.f32 v13, v8;
	v7 =	vadd.f32 v7, v16;
	v10 =	vld.idx.msk [tilespmem:v10+s14+$0x0], $0xffff  }
0x72: {  	v13 =	vbroadcast v18, $0x0;
	v18 =	vmov s24;
	v16 =	vand.u32 $0x7B, v20;
	v20 =	vld.idx.msk [tilespmem:v14+s13+$0x0], $0xffff  }
0x73: {  	s24 =	sadd.s32 $0xFFFFFFFE, s22;
	v17 =	vor.u32 v3, v17;
	v7 =	vadd.f32 v8, v7;
	v8 =	vmul.f32 v15, v9;
	v9 =	vld.idx.msk [tilespmem:v14+s14+$0x0], $0xffff  }
0x74: {  	v14 =	vbroadcast v16, $0x0;
	v15 =	vand.u32 $0x7C, v18;
	v16 =	vmov s24;
	v18 =	vld.idx.msk [tilespmem:v12+s13+$0x0], $0xffff  }
0x75: {  	v13 =	vor.u32 v3, v13;
	s24 =	sadd.s32 $0xFFFFFFFF, s22;
	v7 =	vadd.f32 v8, v7;
	v8 =	vmul.f32 v11, v22;
	v22 =	vld.idx.msk [tilespmem:v12+s14+$0x0], $0xffff  }
0x76: {  	v12 =	vbroadcast v15, $0x0;
	v11 =	vand.u32 $0x7D, v16;
	v15 =	vmov s24;
	v23 =	vld.idx.msk [tilespmem:v19+s13+$0x0], $0xffff  }
0x77: {  	v14 =	vor.u32 v3, v14;
	v10 =	vmul.f32 v10, v21;
	v16 =	vld.idx.msk [tilespmem:v19+s14+$0x0], $0xffff;
	v8 =	vadd.f32 v8, v7  }
0x78: {  	v15 =	vand.u32 $0x7E, v15;
	v21 =	vmov s22;
	s22 =	smov.u32 s23;
	v19 =	vbroadcast v11, $0x0;
	v7 =	vld.idx.msk [tilespmem:v17+s13+$0x0], $0xffff  }
.Ltmp2:
0x79: {  	s24 =	sadd.s32 $0xFFFFFFF9, s23;
	v12 =	vor.u32 v3, v12;
	v9 =	vmul.f32 v9, v20;
	v11 =	vld.idx.msk [tilespmem:v17+s14+$0x0], $0xffff;
	v17 =	vadd.f32 v10, v8;
	(pc) =	sbr.rel @p0 .LBB2_7-.Ltmp2, $4  }
0x7a: {  	v24 =	vbroadcast v15, $0x0;
	v15 =	vand.u32 $0x7F, v21;
	v20 =	vmov s24;
	v8 =	vld.idx.msk [tilespmem:v13+s13+$0x0], $0xffff  }
0x7b: {  	s24 =	sadd.s32 $0xFFFFFFFA, s23;
	v10 =	vor.u32 v3, v19;
	v22 =	vmul.f32 v22, v18;
	v13 =	vld.idx.msk [tilespmem:v13+s14+$0x0], $0xffff;
	v21 =	vadd.f32 v9, v17  }
0x7c: {  	v19 =	vand.u32 $0x78, v20;
	v18 =	vmov s24;
	v17 =	vbroadcast v15, $0x0;
	v9 =	vld.idx.msk [tilespmem:v14+s13+$0x0], $0xffff  }
0x7d: {  	s23 =	sadd.s32 $0x8, s23;
	s24 =	sadd.s32 $0xFFFFFFFB, s22;
	v20 =	vmul.f32 v16, v23;
	v15 =	vld.idx.msk [tilespmem:v14+s14+$0x0], $0xffff;
	v14 =	vor.u32 v3, v24;
	v16 =	vadd.f32 v22, v21  }
0x7e: {  	_ =	sdelay $0x3  }
0x7f: {  	v21 =	vld.idx.msk [tilespmem:v12+s13+$0x0], $0xffff;
	v7 =	vmul.f32 v11, v7;
	v16 =	vadd.f32 v20, v16  }
0x80: {  	v11 =	vbroadcast v19, $0x0;
	v12 =	vld.idx.msk [tilespmem:v12+s14+$0x0], $0xffff;
	v17 =	vor.u32 v3, v17  }
0x81: {  	v18 =	vand.u32 $0x79, v18;
	v19 =	vld.idx.msk [tilespmem:v10+s13+$0x0], $0xffff;
	v8 =	vmul.f32 v13, v8;
	v7 =	vadd.f32 v7, v16  }
0x82: {  	v10 =	vld.idx.msk [tilespmem:v10+s14+$0x0], $0xffff;
	v13 =	vmov s24;
	v11 =	vor.u32 v3, v11;
	v16 =	vbroadcast v18, $0x0  }
0x83: {  	s23 =	sadd.s32 $0xFFFFFFFC, s22;
	v13 =	vand.u32 $0x7A, v13;
	v18 =	vld.idx.msk [tilespmem:v14+s13+$0x0], $0xffff;
	v7 =	vadd.f32 v8, v7;
	v8 =	vmul.f32 v15, v9  }
0x84: {  	v14 =	vld.idx.msk [tilespmem:v14+s14+$0x0], $0xffff;
	v13 =	vbroadcast v13, $0x0;
	v9 =	vmov s23;
	v15 =	vor.u32 v3, v16  }
0x85: {  	s26 =	sadd.s32 $0xFFFFFFFD, s22;
	v16 =	vld.idx.msk [tilespmem:v17+s13+$0x0], $0xffff;
	v9 =	vand.u32 $0x7B, v9;
	v7 =	vadd.f32 v8, v7;
	v8 =	vmul.f32 v12, v21  }
0x86: {  	v17 =	vld.idx.msk [tilespmem:v17+s14+$0x0], $0xffff;
	v13 =	vor.u32 v3, v13;
	v12 =	vmov s26;
	v9 =	vbroadcast v9, $0x0  }
0x87: {  	s28 =	sadd.s32 $0xFFFFFFFE, s22;
	v20 =	vld.idx.msk [tilespmem:v11+s13+$0x0], $0xffff;
	v12 =	vand.u32 $0x7C, v12;
	v7 =	vadd.f32 v8, v7;
	v8 =	vmul.f32 v10, v19  }
0x88: {  	v11 =	vld.idx.msk [tilespmem:v11+s14+$0x0], $0xffff;
	v10 =	vmov s28;
	v12 =	vbroadcast v12, $0x0;
	v9 =	vor.u32 v3, v9  }
0x89: {  	s29 =	sadd.s32 $0xFFFFFFFF, s22;
	v10 =	vand.u32 $0x7D, v10;
	v19 =	vld.idx.msk [tilespmem:v15+s13+$0x0], $0xffff;
	v7 =	vadd.f32 v8, v7;
	v8 =	vmul.f32 v14, v18  }
0x8a: {  	v15 =	vld.idx.msk [tilespmem:v15+s14+$0x0], $0xffff;
	v14 =	vmov s29;
	v10 =	vbroadcast v10, $0x0;
	v12 =	vor.u32 v3, v12  }
0x8b: {  	v18 =	vld.idx.msk [tilespmem:v13+s13+$0x0], $0xffff;
	v14 =	vand.u32 $0x7E, v14;
	v7 =	vadd.f32 v8, v7;
	v8 =	vmul.f32 v17, v16  }
0x8c: {  	v13 =	vld.idx.msk [tilespmem:v13+s14+$0x0], $0xffff;
	v16 =	vmov s22;
	v14 =	vbroadcast v14, $0x0;
	v10 =	vor.u32 v3, v10  }
0x8d: {  	v11 =	vmul.f32 v11, v20;
	v16 =	vand.u32 $0x7F, v16;
	v17 =	vld.idx.msk [tilespmem:v9+s13+$0x0], $0xffff;
	v7 =	vadd.f32 v8, v7  }
0x8e: {  	v9 =	vld.idx.msk [tilespmem:v9+s14+$0x0], $0xffff;
	v8 =	vbroadcast v16, $0x0;
	v14 =	vor.u32 v3, v14  }
0x8f: {  	v16 =	vld.idx.msk [tilespmem:v12+s13+$0x0], $0xffff;
	v7 =	vadd.f32 v11, v7;
	v11 =	vmul.f32 v15, v19  }
0x90: {  	v12 =	vld.idx.msk [tilespmem:v12+s14+$0x0], $0xffff;
	v8 =	vor.u32 v3, v8  }
0x91: {  	v15 =	vld.idx.msk [tilespmem:v10+s13+$0x0], $0xffff;
	v7 =	vadd.f32 v11, v7;
	v11 =	vmul.f32 v13, v18  }
0x92: {  	v10 =	vld.idx.msk [tilespmem:v10+s14+$0x0], $0xffff  }
0x93: {  	v9 =	vmul.f32 v9, v17;
	v13 =	vld.idx.msk [tilespmem:v14+s13+$0x0], $0xffff;
	v7 =	vadd.f32 v11, v7  }
0x94: {  	v11 =	vld.idx.msk [tilespmem:v14+s14+$0x0], $0xffff  }
0x95: {  	v14 =	vld.idx.msk [tilespmem:v8+s13+$0x0], $0xffff;
	v7 =	vadd.f32 v9, v7;
	v9 =	vmul.f32 v12, v16  }
0x96: {  	v8 =	vld.idx.msk [tilespmem:v8+s14+$0x0], $0xffff  }
0x97: {  	s30 =	simm.s32 $0x0;
	v7 =	vadd.f32 v9, v7;
	v9 =	vmul.f32 v10, v15;
	v10 =	vld [tilespmem:$0x90]  }
0x98: {  	v12 =	vmov s30  }
0x99: {  	s31 =	simm.s32 $0x1;
	v7 =	vadd.f32 v9, v7;
	v9 =	vmul.f32 v11, v13;
	v11 =	vand.u32 $0x78, v12  }
0x9a: {  	v12 =	vmov s31;
	v11 =	vbroadcast v11, $0x0  }
0x9b: {  	s23 =	simm.s32 $0x2;
	v8 =	vmul.f32 v8, v14;
	v7 =	vadd.f32 v9, v7;
	v9 =	vand.u32 $0x79, v12  }
0x9c: {  	v12 =	vmov s23;
	v9 =	vbroadcast v9, $0x0;
	v11 =	vor.u32 v4, v11  }
0x9d: {  	s24 =	simm.s32 $0x3;
	v7 =	vadd.f32 v8, v7;
	v8 =	vand.u32 $0x7A, v12  }
0x9e: {  	v12 =	vmov s24;
	v8 =	vbroadcast v8, $0x0;
	v9 =	vor.u32 v4, v9  }
0x9f: {  	s25 =	simm.s32 $0x4;
	[tilespmem:v10+s17+$0x0] =	vst.idx.add.f32.msk $0xffff, v7;
	v7 =	vand.u32 $0x7B, v12  }
0xa0: {  	[tilespmem:v10+s18+$0x0] =	vst.idx.add.f32.msk $0xffff, v2;
	v7 =	vbroadcast v7, $0x0;
	v10 =	vor.u32 v4, v8;
	v8 =	vmov s25  }
0xa1: {  	s26 =	simm.s32 $0x5;
	v14 =	vld.idx.msk [tilespmem:v11+s13+$0x0], $0xffff;
	v8 =	vand.u32 $0x7C, v8  }
0xa2: {  	s28 =	simm.s32 $0x6;
	v12 =	vmov s26;
	v15 =	vld.idx.msk [tilespmem:v11+s14+$0x0], $0xffff;
	v21 =	vor.u32 v4, v7;
	v8 =	vbroadcast v8, $0x0  }
0xa3: {  	v11 =	vand.u32 $0x7D, v12;
	v12 =	vmov s28;
	v7 =	vld.idx.msk [tilespmem:v9+s13+$0x0], $0xffff  }
0xa4: {  	s29 =	simm.s32 $0x7;
	s30 =	simm.s32 $0x8;
	v17 =	vbroadcast v11, $0x0;
	v11 =	vld.idx.msk [tilespmem:v9+s14+$0x0], $0xffff;
	v9 =	vand.u32 $0x7E, v12;
	v12 =	vor.u32 v4, v8  }
0xa5: {  	v18 =	vmov s30;
	v13 =	vmov s29;
	v8 =	vld.idx.msk [tilespmem:v10+s13+$0x0], $0xffff  }
0xa6: {  	s31 =	simm.s32 $0x9;
	v20 =	vand.u32 $0x7F, v13;
	v22 =	vbroadcast v9, $0x0;
	v13 =	vld.idx.msk [tilespmem:v10+s14+$0x0], $0xffff;
	v10 =	vor.u32 v4, v17  }
0xa7: {  	v16 =	vimm.f32 $0.0e+00;
	v19 =	vand.u32 $0x78, v18;
	v18 =	vmov s31;
	v9 =	vld.idx.msk [tilespmem:v21+s13+$0x0], $0xffff  }
0xa8: {  	s22 =	simm.s32 $0xF;
	s23 =	simm.s32 $0x17;
	s24 =	simm.s32 $0xA;
	v17 =	vbroadcast v20, $0x0;
	v20 =	vmul.f32 v15, v14;
	v14 =	vor.u32 v4, v22;
	v15 =	vld.idx.msk [tilespmem:v21+s14+$0x0], $0xffff  }
.LBB2_9:
0xa9: {  	p0 =	sne.s32 s23, $0x7F;
	v19 =	vbroadcast v19, $0x0;
	v18 =	vand.u32 $0x79, v18;
	v21 =	vmov s24;
	v22 =	vld.idx.msk [tilespmem:v12+s13+$0x0], $0xffff  }
0xaa: {  	s24 =	sadd.s32 $0xFFFFFFFC, s22;
	v7 =	vmul.f32 v11, v7;
	v16 =	vadd.f32 v20, v16;
	v11 =	vld.idx.msk [tilespmem:v12+s14+$0x0], $0xffff;
	v12 =	vor.u32 v4, v17  }
0xab: {  	v17 =	vbroadcast v18, $0x0;
	v18 =	vand.u32 $0x7A, v21;
	v20 =	vmov s24;
	v21 =	vld.idx.msk [tilespmem:v10+s13+$0x0], $0xffff  }
0xac: {  	s24 =	sadd.s32 $0xFFFFFFFD, s22;
	v19 =	vor.u32 v4, v19;
	v8 =	vmul.f32 v13, v8;
	v7 =	vadd.f32 v7, v16;
	v10 =	vld.idx.msk [tilespmem:v10+s14+$0x0], $0xffff  }
0xad: {  	v13 =	vbroadcast v18, $0x0;
	v18 =	vmov s24;
	v16 =	vand.u32 $0x7B, v20;
	v20 =	vld.idx.msk [tilespmem:v14+s13+$0x0], $0xffff  }
0xae: {  	s24 =	sadd.s32 $0xFFFFFFFE, s22;
	v17 =	vor.u32 v4, v17;
	v7 =	vadd.f32 v8, v7;
	v8 =	vmul.f32 v15, v9;
	v9 =	vld.idx.msk [tilespmem:v14+s14+$0x0], $0xffff  }
0xaf: {  	v14 =	vbroadcast v16, $0x0;
	v15 =	vand.u32 $0x7C, v18;
	v16 =	vmov s24;
	v18 =	vld.idx.msk [tilespmem:v12+s13+$0x0], $0xffff  }
0xb0: {  	v13 =	vor.u32 v4, v13;
	s24 =	sadd.s32 $0xFFFFFFFF, s22;
	v7 =	vadd.f32 v8, v7;
	v8 =	vmul.f32 v11, v22;
	v22 =	vld.idx.msk [tilespmem:v12+s14+$0x0], $0xffff  }
0xb1: {  	v12 =	vbroadcast v15, $0x0;
	v11 =	vand.u32 $0x7D, v16;
	v15 =	vmov s24;
	v23 =	vld.idx.msk [tilespmem:v19+s13+$0x0], $0xffff  }
0xb2: {  	v14 =	vor.u32 v4, v14;
	v10 =	vmul.f32 v10, v21;
	v16 =	vld.idx.msk [tilespmem:v19+s14+$0x0], $0xffff;
	v8 =	vadd.f32 v8, v7  }
0xb3: {  	v15 =	vand.u32 $0x7E, v15;
	v21 =	vmov s22;
	s22 =	smov.u32 s23;
	v19 =	vbroadcast v11, $0x0;
	v7 =	vld.idx.msk [tilespmem:v17+s13+$0x0], $0xffff  }
.Ltmp3:
0xb4: {  	s24 =	sadd.s32 $0xFFFFFFF9, s23;
	v12 =	vor.u32 v4, v12;
	v9 =	vmul.f32 v9, v20;
	v11 =	vld.idx.msk [tilespmem:v17+s14+$0x0], $0xffff;
	v17 =	vadd.f32 v10, v8;
	(pc) =	sbr.rel @p0 .LBB2_9-.Ltmp3, $4  }
0xb5: {  	v24 =	vbroadcast v15, $0x0;
	v15 =	vand.u32 $0x7F, v21;
	v20 =	vmov s24;
	v8 =	vld.idx.msk [tilespmem:v13+s13+$0x0], $0xffff  }
0xb6: {  	s24 =	sadd.s32 $0xFFFFFFFA, s23;
	v10 =	vor.u32 v4, v19;
	v22 =	vmul.f32 v22, v18;
	v13 =	vld.idx.msk [tilespmem:v13+s14+$0x0], $0xffff;
	v21 =	vadd.f32 v9, v17  }
0xb7: {  	v19 =	vand.u32 $0x78, v20;
	v18 =	vmov s24;
	v17 =	vbroadcast v15, $0x0;
	v9 =	vld.idx.msk [tilespmem:v14+s13+$0x0], $0xffff  }
0xb8: {  	s23 =	sadd.s32 $0x8, s23;
	s24 =	sadd.s32 $0xFFFFFFFB, s22;
	v20 =	vmul.f32 v16, v23;
	v15 =	vld.idx.msk [tilespmem:v14+s14+$0x0], $0xffff;
	v14 =	vor.u32 v4, v24;
	v16 =	vadd.f32 v22, v21  }
0xb9: {  	_ =	sdelay $0x3  }
0xba: {  	v21 =	vld.idx.msk [tilespmem:v12+s13+$0x0], $0xffff;
	v7 =	vmul.f32 v11, v7;
	v16 =	vadd.f32 v20, v16  }
0xbb: {  	v11 =	vbroadcast v19, $0x0;
	v12 =	vld.idx.msk [tilespmem:v12+s14+$0x0], $0xffff;
	v17 =	vor.u32 v4, v17  }
0xbc: {  	v18 =	vand.u32 $0x79, v18;
	v19 =	vld.idx.msk [tilespmem:v10+s13+$0x0], $0xffff;
	v8 =	vmul.f32 v13, v8;
	v7 =	vadd.f32 v7, v16  }
0xbd: {  	v10 =	vld.idx.msk [tilespmem:v10+s14+$0x0], $0xffff;
	v13 =	vmov s24;
	v11 =	vor.u32 v4, v11;
	v16 =	vbroadcast v18, $0x0  }
0xbe: {  	s23 =	sadd.s32 $0xFFFFFFFC, s22;
	v13 =	vand.u32 $0x7A, v13;
	v18 =	vld.idx.msk [tilespmem:v14+s13+$0x0], $0xffff;
	v7 =	vadd.f32 v8, v7;
	v8 =	vmul.f32 v15, v9  }
0xbf: {  	v14 =	vld.idx.msk [tilespmem:v14+s14+$0x0], $0xffff;
	v13 =	vbroadcast v13, $0x0;
	v9 =	vmov s23;
	v15 =	vor.u32 v4, v16  }
0xc0: {  	s26 =	sadd.s32 $0xFFFFFFFD, s22;
	v16 =	vld.idx.msk [tilespmem:v17+s13+$0x0], $0xffff;
	v9 =	vand.u32 $0x7B, v9;
	v7 =	vadd.f32 v8, v7;
	v8 =	vmul.f32 v12, v21  }
0xc1: {  	v17 =	vld.idx.msk [tilespmem:v17+s14+$0x0], $0xffff;
	v13 =	vor.u32 v4, v13;
	v12 =	vmov s26;
	v9 =	vbroadcast v9, $0x0  }
0xc2: {  	s28 =	sadd.s32 $0xFFFFFFFE, s22;
	v20 =	vld.idx.msk [tilespmem:v11+s13+$0x0], $0xffff;
	v12 =	vand.u32 $0x7C, v12;
	v7 =	vadd.f32 v8, v7;
	v8 =	vmul.f32 v10, v19  }
0xc3: {  	v11 =	vld.idx.msk [tilespmem:v11+s14+$0x0], $0xffff;
	v10 =	vmov s28;
	v12 =	vbroadcast v12, $0x0;
	v9 =	vor.u32 v4, v9  }
0xc4: {  	s29 =	sadd.s32 $0xFFFFFFFF, s22;
	v10 =	vand.u32 $0x7D, v10;
	v19 =	vld.idx.msk [tilespmem:v15+s13+$0x0], $0xffff;
	v7 =	vadd.f32 v8, v7;
	v8 =	vmul.f32 v14, v18  }
0xc5: {  	v15 =	vld.idx.msk [tilespmem:v15+s14+$0x0], $0xffff;
	v14 =	vmov s29;
	v10 =	vbroadcast v10, $0x0;
	v12 =	vor.u32 v4, v12  }
0xc6: {  	v18 =	vld.idx.msk [tilespmem:v13+s13+$0x0], $0xffff;
	v14 =	vand.u32 $0x7E, v14;
	v7 =	vadd.f32 v8, v7;
	v8 =	vmul.f32 v17, v16  }
0xc7: {  	v13 =	vld.idx.msk [tilespmem:v13+s14+$0x0], $0xffff;
	v16 =	vmov s22;
	v14 =	vbroadcast v14, $0x0;
	v10 =	vor.u32 v4, v10  }
0xc8: {  	v11 =	vmul.f32 v11, v20;
	v16 =	vand.u32 $0x7F, v16;
	v17 =	vld.idx.msk [tilespmem:v9+s13+$0x0], $0xffff;
	v7 =	vadd.f32 v8, v7  }
0xc9: {  	v9 =	vld.idx.msk [tilespmem:v9+s14+$0x0], $0xffff;
	v8 =	vbroadcast v16, $0x0;
	v14 =	vor.u32 v4, v14  }
0xca: {  	v16 =	vld.idx.msk [tilespmem:v12+s13+$0x0], $0xffff;
	v7 =	vadd.f32 v11, v7;
	v11 =	vmul.f32 v15, v19  }
0xcb: {  	v12 =	vld.idx.msk [tilespmem:v12+s14+$0x0], $0xffff;
	v8 =	vor.u32 v4, v8  }
0xcc: {  	v15 =	vld.idx.msk [tilespmem:v10+s13+$0x0], $0xffff;
	v7 =	vadd.f32 v11, v7;
	v11 =	vmul.f32 v13, v18  }
0xcd: {  	v10 =	vld.idx.msk [tilespmem:v10+s14+$0x0], $0xffff  }
0xce: {  	v9 =	vmul.f32 v9, v17;
	v13 =	vld.idx.msk [tilespmem:v14+s13+$0x0], $0xffff;
	v7 =	vadd.f32 v11, v7  }
0xcf: {  	v11 =	vld.idx.msk [tilespmem:v14+s14+$0x0], $0xffff  }
0xd0: {  	v14 =	vld.idx.msk [tilespmem:v8+s13+$0x0], $0xffff;
	v7 =	vadd.f32 v9, v7;
	v9 =	vmul.f32 v12, v16  }
0xd1: {  	v8 =	vld.idx.msk [tilespmem:v8+s14+$0x0], $0xffff  }
0xd2: {  	s30 =	simm.s32 $0x0;
	v7 =	vadd.f32 v9, v7;
	v9 =	vmul.f32 v10, v15;
	v10 =	vld [tilespmem:$0xA0]  }
0xd3: {  	v12 =	vmov s30  }
0xd4: {  	s31 =	simm.s32 $0x1;
	v7 =	vadd.f32 v9, v7;
	v9 =	vmul.f32 v11, v13;
	v11 =	vand.u32 $0x78, v12  }
0xd5: {  	v12 =	vmov s31;
	v11 =	vbroadcast v11, $0x0  }
0xd6: {  	s23 =	simm.s32 $0x2;
	v8 =	vmul.f32 v8, v14;
	v7 =	vadd.f32 v9, v7;
	v9 =	vand.u32 $0x79, v12  }
0xd7: {  	v12 =	vmov s23;
	v9 =	vbroadcast v9, $0x0;
	v11 =	vor.u32 v5, v11  }
0xd8: {  	s24 =	simm.s32 $0x3;
	v7 =	vadd.f32 v8, v7;
	v8 =	vand.u32 $0x7A, v12  }
0xd9: {  	v12 =	vmov s24;
	v8 =	vbroadcast v8, $0x0;
	v9 =	vor.u32 v5, v9  }
0xda: {  	s25 =	simm.s32 $0x4;
	[tilespmem:v10+s17+$0x0] =	vst.idx.add.f32.msk $0xffff, v7;
	v7 =	vand.u32 $0x7B, v12  }
0xdb: {  	[tilespmem:v10+s18+$0x0] =	vst.idx.add.f32.msk $0xffff, v2;
	v7 =	vbroadcast v7, $0x0;
	v10 =	vor.u32 v5, v8;
	v8 =	vmov s25  }
0xdc: {  	s26 =	simm.s32 $0x5;
	v14 =	vld.idx.msk [tilespmem:v11+s13+$0x0], $0xffff;
	v8 =	vand.u32 $0x7C, v8  }
0xdd: {  	s28 =	simm.s32 $0x6;
	v12 =	vmov s26;
	v15 =	vld.idx.msk [tilespmem:v11+s14+$0x0], $0xffff;
	v21 =	vor.u32 v5, v7;
	v8 =	vbroadcast v8, $0x0  }
0xde: {  	v11 =	vand.u32 $0x7D, v12;
	v12 =	vmov s28;
	v7 =	vld.idx.msk [tilespmem:v9+s13+$0x0], $0xffff  }
0xdf: {  	s29 =	simm.s32 $0x7;
	s30 =	simm.s32 $0x8;
	v17 =	vbroadcast v11, $0x0;
	v11 =	vld.idx.msk [tilespmem:v9+s14+$0x0], $0xffff;
	v9 =	vand.u32 $0x7E, v12;
	v12 =	vor.u32 v5, v8  }
0xe0: {  	v18 =	vmov s30;
	v13 =	vmov s29;
	v8 =	vld.idx.msk [tilespmem:v10+s13+$0x0], $0xffff  }
0xe1: {  	s31 =	simm.s32 $0x9;
	v20 =	vand.u32 $0x7F, v13;
	v22 =	vbroadcast v9, $0x0;
	v13 =	vld.idx.msk [tilespmem:v10+s14+$0x0], $0xffff;
	v10 =	vor.u32 v5, v17  }
0xe2: {  	v16 =	vimm.f32 $0.0e+00;
	v19 =	vand.u32 $0x78, v18;
	v18 =	vmov s31;
	v9 =	vld.idx.msk [tilespmem:v21+s13+$0x0], $0xffff  }
0xe3: {  	s22 =	simm.s32 $0xF;
	s23 =	simm.s32 $0x17;
	s24 =	simm.s32 $0xA;
	v17 =	vbroadcast v20, $0x0;
	v20 =	vmul.f32 v15, v14;
	v14 =	vor.u32 v5, v22;
	v15 =	vld.idx.msk [tilespmem:v21+s14+$0x0], $0xffff  }
.LBB2_11:
0xe4: {  	p0 =	sne.s32 s23, $0x7F;
	v19 =	vbroadcast v19, $0x0;
	v18 =	vand.u32 $0x79, v18;
	v21 =	vmov s24;
	v22 =	vld.idx.msk [tilespmem:v12+s13+$0x0], $0xffff  }
0xe5: {  	s24 =	sadd.s32 $0xFFFFFFFC, s22;
	v7 =	vmul.f32 v11, v7;
	v16 =	vadd.f32 v20, v16;
	v11 =	vld.idx.msk [tilespmem:v12+s14+$0x0], $0xffff;
	v12 =	vor.u32 v5, v17  }
0xe6: {  	v17 =	vbroadcast v18, $0x0;
	v18 =	vand.u32 $0x7A, v21;
	v20 =	vmov s24;
	v21 =	vld.idx.msk [tilespmem:v10+s13+$0x0], $0xffff  }
0xe7: {  	s24 =	sadd.s32 $0xFFFFFFFD, s22;
	v19 =	vor.u32 v5, v19;
	v8 =	vmul.f32 v13, v8;
	v7 =	vadd.f32 v7, v16;
	v10 =	vld.idx.msk [tilespmem:v10+s14+$0x0], $0xffff  }
0xe8: {  	v13 =	vbroadcast v18, $0x0;
	v18 =	vmov s24;
	v16 =	vand.u32 $0x7B, v20;
	v20 =	vld.idx.msk [tilespmem:v14+s13+$0x0], $0xffff  }
0xe9: {  	s24 =	sadd.s32 $0xFFFFFFFE, s22;
	v17 =	vor.u32 v5, v17;
	v7 =	vadd.f32 v8, v7;
	v8 =	vmul.f32 v15, v9;
	v9 =	vld.idx.msk [tilespmem:v14+s14+$0x0], $0xffff  }
0xea: {  	v14 =	vbroadcast v16, $0x0;
	v15 =	vand.u32 $0x7C, v18;
	v16 =	vmov s24;
	v18 =	vld.idx.msk [tilespmem:v12+s13+$0x0], $0xffff  }
0xeb: {  	v13 =	vor.u32 v5, v13;
	s24 =	sadd.s32 $0xFFFFFFFF, s22;
	v7 =	vadd.f32 v8, v7;
	v8 =	vmul.f32 v11, v22;
	v22 =	vld.idx.msk [tilespmem:v12+s14+$0x0], $0xffff  }
0xec: {  	v12 =	vbroadcast v15, $0x0;
	v11 =	vand.u32 $0x7D, v16;
	v15 =	vmov s24;
	v23 =	vld.idx.msk [tilespmem:v19+s13+$0x0], $0xffff  }
0xed: {  	v14 =	vor.u32 v5, v14;
	v10 =	vmul.f32 v10, v21;
	v16 =	vld.idx.msk [tilespmem:v19+s14+$0x0], $0xffff;
	v8 =	vadd.f32 v8, v7  }
0xee: {  	v15 =	vand.u32 $0x7E, v15;
	v21 =	vmov s22;
	s22 =	smov.u32 s23;
	v19 =	vbroadcast v11, $0x0;
	v7 =	vld.idx.msk [tilespmem:v17+s13+$0x0], $0xffff  }
.Ltmp4:
0xef: {  	s24 =	sadd.s32 $0xFFFFFFF9, s23;
	v12 =	vor.u32 v5, v12;
	v9 =	vmul.f32 v9, v20;
	v11 =	vld.idx.msk [tilespmem:v17+s14+$0x0], $0xffff;
	v17 =	vadd.f32 v10, v8;
	(pc) =	sbr.rel @p0 .LBB2_11-.Ltmp4, $4  }
0xf0: {  	v24 =	vbroadcast v15, $0x0;
	v15 =	vand.u32 $0x7F, v21;
	v20 =	vmov s24;
	v8 =	vld.idx.msk [tilespmem:v13+s13+$0x0], $0xffff  }
0xf1: {  	s24 =	sadd.s32 $0xFFFFFFFA, s23;
	v10 =	vor.u32 v5, v19;
	v22 =	vmul.f32 v22, v18;
	v13 =	vld.idx.msk [tilespmem:v13+s14+$0x0], $0xffff;
	v21 =	vadd.f32 v9, v17  }
0xf2: {  	v19 =	vand.u32 $0x78, v20;
	v18 =	vmov s24;
	v17 =	vbroadcast v15, $0x0;
	v9 =	vld.idx.msk [tilespmem:v14+s13+$0x0], $0xffff  }
0xf3: {  	s23 =	sadd.s32 $0x8, s23;
	s24 =	sadd.s32 $0xFFFFFFFB, s22;
	v20 =	vmul.f32 v16, v23;
	v15 =	vld.idx.msk [tilespmem:v14+s14+$0x0], $0xffff;
	v14 =	vor.u32 v5, v24;
	v16 =	vadd.f32 v22, v21  }
0xf4: {  	_ =	sdelay $0x3  }
0xf5: {  	v21 =	vld.idx.msk [tilespmem:v12+s13+$0x0], $0xffff;
	v7 =	vmul.f32 v11, v7;
	v16 =	vadd.f32 v20, v16  }
0xf6: {  	v11 =	vbroadcast v19, $0x0;
	v12 =	vld.idx.msk [tilespmem:v12+s14+$0x0], $0xffff;
	v17 =	vor.u32 v5, v17  }
0xf7: {  	v18 =	vand.u32 $0x79, v18;
	v19 =	vld.idx.msk [tilespmem:v10+s13+$0x0], $0xffff;
	v8 =	vmul.f32 v13, v8;
	v7 =	vadd.f32 v7, v16  }
0xf8: {  	v10 =	vld.idx.msk [tilespmem:v10+s14+$0x0], $0xffff;
	v13 =	vmov s24;
	v11 =	vor.u32 v5, v11;
	v16 =	vbroadcast v18, $0x0  }
0xf9: {  	s23 =	sadd.s32 $0xFFFFFFFC, s22;
	v13 =	vand.u32 $0x7A, v13;
	v18 =	vld.idx.msk [tilespmem:v14+s13+$0x0], $0xffff;
	v7 =	vadd.f32 v8, v7;
	v8 =	vmul.f32 v15, v9  }
0xfa: {  	v14 =	vld.idx.msk [tilespmem:v14+s14+$0x0], $0xffff;
	v13 =	vbroadcast v13, $0x0;
	v9 =	vmov s23;
	v15 =	vor.u32 v5, v16  }
0xfb: {  	s26 =	sadd.s32 $0xFFFFFFFD, s22;
	v16 =	vld.idx.msk [tilespmem:v17+s13+$0x0], $0xffff;
	v9 =	vand.u32 $0x7B, v9;
	v7 =	vadd.f32 v8, v7;
	v8 =	vmul.f32 v12, v21  }
0xfc: {  	v17 =	vld.idx.msk [tilespmem:v17+s14+$0x0], $0xffff;
	v13 =	vor.u32 v5, v13;
	v12 =	vmov s26;
	v9 =	vbroadcast v9, $0x0  }
0xfd: {  	s28 =	sadd.s32 $0xFFFFFFFE, s22;
	v20 =	vld.idx.msk [tilespmem:v11+s13+$0x0], $0xffff;
	v12 =	vand.u32 $0x7C, v12;
	v7 =	vadd.f32 v8, v7;
	v8 =	vmul.f32 v10, v19  }
0xfe: {  	v11 =	vld.idx.msk [tilespmem:v11+s14+$0x0], $0xffff;
	v10 =	vmov s28;
	v12 =	vbroadcast v12, $0x0;
	v9 =	vor.u32 v5, v9  }
0xff: {  	s29 =	sadd.s32 $0xFFFFFFFF, s22;
	v10 =	vand.u32 $0x7D, v10;
	v19 =	vld.idx.msk [tilespmem:v15+s13+$0x0], $0xffff;
	v7 =	vadd.f32 v8, v7;
	v8 =	vmul.f32 v14, v18  }
0x100: {  	v15 =	vld.idx.msk [tilespmem:v15+s14+$0x0], $0xffff;
	v14 =	vmov s29;
	v10 =	vbroadcast v10, $0x0;
	v12 =	vor.u32 v5, v12  }
0x101: {  	v18 =	vld.idx.msk [tilespmem:v13+s13+$0x0], $0xffff;
	v14 =	vand.u32 $0x7E, v14;
	v7 =	vadd.f32 v8, v7;
	v8 =	vmul.f32 v17, v16  }
0x102: {  	v13 =	vld.idx.msk [tilespmem:v13+s14+$0x0], $0xffff;
	v16 =	vmov s22;
	v14 =	vbroadcast v14, $0x0;
	v10 =	vor.u32 v5, v10  }
0x103: {  	v11 =	vmul.f32 v11, v20;
	v16 =	vand.u32 $0x7F, v16;
	v17 =	vld.idx.msk [tilespmem:v9+s13+$0x0], $0xffff;
	v7 =	vadd.f32 v8, v7  }
0x104: {  	v9 =	vld.idx.msk [tilespmem:v9+s14+$0x0], $0xffff;
	v8 =	vbroadcast v16, $0x0;
	v14 =	vor.u32 v5, v14  }
0x105: {  	v16 =	vld.idx.msk [tilespmem:v12+s13+$0x0], $0xffff;
	v7 =	vadd.f32 v11, v7;
	v11 =	vmul.f32 v15, v19  }
0x106: {  	v12 =	vld.idx.msk [tilespmem:v12+s14+$0x0], $0xffff;
	v8 =	vor.u32 v5, v8  }
0x107: {  	v15 =	vld.idx.msk [tilespmem:v10+s13+$0x0], $0xffff;
	v7 =	vadd.f32 v11, v7;
	v11 =	vmul.f32 v13, v18  }
0x108: {  	v10 =	vld.idx.msk [tilespmem:v10+s14+$0x0], $0xffff  }
0x109: {  	v9 =	vmul.f32 v9, v17;
	v13 =	vld.idx.msk [tilespmem:v14+s13+$0x0], $0xffff;
	v7 =	vadd.f32 v11, v7  }
0x10a: {  	v11 =	vld.idx.msk [tilespmem:v14+s14+$0x0], $0xffff  }
0x10b: {  	v14 =	vld.idx.msk [tilespmem:v8+s13+$0x0], $0xffff;
	v7 =	vadd.f32 v9, v7;
	v9 =	vmul.f32 v12, v16  }
0x10c: {  	v8 =	vld.idx.msk [tilespmem:v8+s14+$0x0], $0xffff  }
0x10d: {  	s30 =	simm.s32 $0x0;
	v7 =	vadd.f32 v9, v7;
	v9 =	vmul.f32 v10, v15;
	v10 =	vld [tilespmem:$0xB0]  }
0x10e: {  	v12 =	vmov s30  }
0x10f: {  	s31 =	simm.s32 $0x1;
	v7 =	vadd.f32 v9, v7;
	v9 =	vmul.f32 v11, v13;
	v11 =	vand.u32 $0x78, v12  }
0x110: {  	v12 =	vmov s31;
	v11 =	vbroadcast v11, $0x0  }
0x111: {  	s23 =	simm.s32 $0x2;
	v8 =	vmul.f32 v8, v14;
	v7 =	vadd.f32 v9, v7;
	v9 =	vand.u32 $0x79, v12  }
0x112: {  	v12 =	vmov s23;
	v9 =	vbroadcast v9, $0x0;
	v11 =	vor.u32 v6, v11  }
0x113: {  	s24 =	simm.s32 $0x3;
	v7 =	vadd.f32 v8, v7;
	v8 =	vand.u32 $0x7A, v12  }
0x114: {  	v12 =	vmov s24;
	v8 =	vbroadcast v8, $0x0;
	v9 =	vor.u32 v6, v9  }
0x115: {  	s25 =	simm.s32 $0x4;
	[tilespmem:v10+s17+$0x0] =	vst.idx.add.f32.msk $0xffff, v7;
	v7 =	vand.u32 $0x7B, v12  }
0x116: {  	[tilespmem:v10+s18+$0x0] =	vst.idx.add.f32.msk $0xffff, v2;
	v7 =	vbroadcast v7, $0x0;
	v10 =	vor.u32 v6, v8;
	v8 =	vmov s25  }
0x117: {  	s26 =	simm.s32 $0x5;
	v14 =	vld.idx.msk [tilespmem:v11+s13+$0x0], $0xffff;
	v8 =	vand.u32 $0x7C, v8  }
0x118: {  	s28 =	simm.s32 $0x6;
	v12 =	vmov s26;
	v15 =	vld.idx.msk [tilespmem:v11+s14+$0x0], $0xffff;
	v21 =	vor.u32 v6, v7;
	v8 =	vbroadcast v8, $0x0  }
0x119: {  	v11 =	vand.u32 $0x7D, v12;
	v12 =	vmov s28;
	v7 =	vld.idx.msk [tilespmem:v9+s13+$0x0], $0xffff  }
0x11a: {  	s29 =	simm.s32 $0x7;
	s30 =	simm.s32 $0x8;
	v17 =	vbroadcast v11, $0x0;
	v11 =	vld.idx.msk [tilespmem:v9+s14+$0x0], $0xffff;
	v9 =	vand.u32 $0x7E, v12;
	v12 =	vor.u32 v6, v8  }
0x11b: {  	v18 =	vmov s30;
	v13 =	vmov s29;
	v8 =	vld.idx.msk [tilespmem:v10+s13+$0x0], $0xffff  }
0x11c: {  	s31 =	simm.s32 $0x9;
	v20 =	vand.u32 $0x7F, v13;
	v22 =	vbroadcast v9, $0x0;
	v13 =	vld.idx.msk [tilespmem:v10+s14+$0x0], $0xffff;
	v10 =	vor.u32 v6, v17  }
0x11d: {  	v16 =	vimm.f32 $0.0e+00;
	v19 =	vand.u32 $0x78, v18;
	v18 =	vmov s31;
	v9 =	vld.idx.msk [tilespmem:v21+s13+$0x0], $0xffff  }
0x11e: {  	s22 =	simm.s32 $0xF;
	s23 =	simm.s32 $0x17;
	s24 =	simm.s32 $0xA;
	v17 =	vbroadcast v20, $0x0;
	v20 =	vmul.f32 v15, v14;
	v14 =	vor.u32 v6, v22;
	v15 =	vld.idx.msk [tilespmem:v21+s14+$0x0], $0xffff  }
.LBB2_13:
0x11f: {  	p0 =	sne.s32 s23, $0x7F;
	v19 =	vbroadcast v19, $0x0;
	v18 =	vand.u32 $0x79, v18;
	v21 =	vmov s24;
	v22 =	vld.idx.msk [tilespmem:v12+s13+$0x0], $0xffff  }
0x120: {  	s24 =	sadd.s32 $0xFFFFFFFC, s22;
	v7 =	vmul.f32 v11, v7;
	v16 =	vadd.f32 v20, v16;
	v11 =	vld.idx.msk [tilespmem:v12+s14+$0x0], $0xffff;
	v12 =	vor.u32 v6, v17  }
0x121: {  	v17 =	vbroadcast v18, $0x0;
	v18 =	vand.u32 $0x7A, v21;
	v20 =	vmov s24;
	v21 =	vld.idx.msk [tilespmem:v10+s13+$0x0], $0xffff  }
0x122: {  	s24 =	sadd.s32 $0xFFFFFFFD, s22;
	v19 =	vor.u32 v6, v19;
	v8 =	vmul.f32 v13, v8;
	v7 =	vadd.f32 v7, v16;
	v10 =	vld.idx.msk [tilespmem:v10+s14+$0x0], $0xffff  }
0x123: {  	v13 =	vbroadcast v18, $0x0;
	v18 =	vmov s24;
	v16 =	vand.u32 $0x7B, v20;
	v20 =	vld.idx.msk [tilespmem:v14+s13+$0x0], $0xffff  }
0x124: {  	s24 =	sadd.s32 $0xFFFFFFFE, s22;
	v17 =	vor.u32 v6, v17;
	v7 =	vadd.f32 v8, v7;
	v8 =	vmul.f32 v15, v9;
	v9 =	vld.idx.msk [tilespmem:v14+s14+$0x0], $0xffff  }
0x125: {  	v14 =	vbroadcast v16, $0x0;
	v15 =	vand.u32 $0x7C, v18;
	v16 =	vmov s24;
	v18 =	vld.idx.msk [tilespmem:v12+s13+$0x0], $0xffff  }
0x126: {  	v13 =	vor.u32 v6, v13;
	s24 =	sadd.s32 $0xFFFFFFFF, s22;
	v7 =	vadd.f32 v8, v7;
	v8 =	vmul.f32 v11, v22;
	v22 =	vld.idx.msk [tilespmem:v12+s14+$0x0], $0xffff  }
0x127: {  	v12 =	vbroadcast v15, $0x0;
	v11 =	vand.u32 $0x7D, v16;
	v15 =	vmov s24;
	v23 =	vld.idx.msk [tilespmem:v19+s13+$0x0], $0xffff  }
0x128: {  	v14 =	vor.u32 v6, v14;
	v10 =	vmul.f32 v10, v21;
	v16 =	vld.idx.msk [tilespmem:v19+s14+$0x0], $0xffff;
	v8 =	vadd.f32 v8, v7  }
0x129: {  	v15 =	vand.u32 $0x7E, v15;
	v21 =	vmov s22;
	s22 =	smov.u32 s23;
	v19 =	vbroadcast v11, $0x0;
	v7 =	vld.idx.msk [tilespmem:v17+s13+$0x0], $0xffff  }
.Ltmp5:
0x12a: {  	s24 =	sadd.s32 $0xFFFFFFF9, s23;
	v12 =	vor.u32 v6, v12;
	v9 =	vmul.f32 v9, v20;
	v11 =	vld.idx.msk [tilespmem:v17+s14+$0x0], $0xffff;
	v17 =	vadd.f32 v10, v8;
	(pc) =	sbr.rel @p0 .LBB2_13-.Ltmp5, $4  }
0x12b: {  	v24 =	vbroadcast v15, $0x0;
	v15 =	vand.u32 $0x7F, v21;
	v20 =	vmov s24;
	v8 =	vld.idx.msk [tilespmem:v13+s13+$0x0], $0xffff  }
0x12c: {  	s24 =	sadd.s32 $0xFFFFFFFA, s23;
	v10 =	vor.u32 v6, v19;
	v22 =	vmul.f32 v22, v18;
	v13 =	vld.idx.msk [tilespmem:v13+s14+$0x0], $0xffff;
	v21 =	vadd.f32 v9, v17  }
0x12d: {  	v19 =	vand.u32 $0x78, v20;
	v18 =	vmov s24;
	v17 =	vbroadcast v15, $0x0;
	v9 =	vld.idx.msk [tilespmem:v14+s13+$0x0], $0xffff  }
0x12e: {  	s23 =	sadd.s32 $0x8, s23;
	s24 =	sadd.s32 $0xFFFFFFFB, s22;
	v20 =	vmul.f32 v16, v23;
	v15 =	vld.idx.msk [tilespmem:v14+s14+$0x0], $0xffff;
	v14 =	vor.u32 v6, v24;
	v16 =	vadd.f32 v22, v21  }
0x12f: {  	_ =	sdelay $0x3  }
0x130: {  	v21 =	vld.idx.msk [tilespmem:v12+s13+$0x0], $0xffff;
	v7 =	vmul.f32 v11, v7;
	v16 =	vadd.f32 v20, v16  }
0x131: {  	v34 =	vbroadcast v19, $0x0;
	v35 =	vld.idx.msk [tilespmem:v12+s14+$0x0], $0xffff;
	v17 =	vor.u32 v6, v17  }
0x132: {  	v18 =	vand.u32 $0x79, v18;
	v36 =	vld.idx.msk [tilespmem:v10+s13+$0x0], $0xffff;
	v8 =	vmul.f32 v13, v8;
	v7 =	vadd.f32 v7, v16  }
0x133: {  	v37 =	vmov s24;
	v39 =	vld.idx.msk [tilespmem:v10+s14+$0x0], $0xffff;
	v38 =	vbroadcast v18, $0x0;
	v11 =	vor.u32 v6, v34  }
0x134: {  	s23 =	sadd.s32 $0xFFFFFFFC, s22;
	v40 =	vld.idx.msk [tilespmem:v14+s13+$0x0], $0xffff;
	v13 =	vand.u32 $0x7A, v37;
	v7 =	vadd.f32 v8, v7;
	v8 =	vmul.f32 v15, v9  }
0x135: {  	v43 =	vld.idx.msk [tilespmem:v14+s14+$0x0], $0xffff;
	v41 =	vmov s23;
	v13 =	vbroadcast v13, $0x0;
	v42 =	vor.u32 v6, v38  }
0x136: {  	s29 =	sadd.s32 $0xFFFFFFFD, s22;
	v9 =	vand.u32 $0x7B, v41;
	v44 =	vld.idx.msk [tilespmem:v17+s13+$0x0], $0xffff;
	v7 =	vadd.f32 v8, v7;
	v8 =	vmul.f32 v35, v21  }
0x137: {  	v45 =	vmov s29;
	v13 =	vor.u32 v6, v13;
	v17 =	vld.idx.msk [tilespmem:v17+s14+$0x0], $0xffff;
	v9 =	vbroadcast v9, $0x0  }
0x138: {  	s30 =	sadd.s32 $0xFFFFFFFE, s22;
	v12 =	vand.u32 $0x7C, v45;
	v46 =	vld.idx.msk [tilespmem:v11+s13+$0x0], $0xffff;
	v7 =	vadd.f32 v8, v7;
	v8 =	vmul.f32 v39, v36  }
0x139: {  	v47 =	vmov s30;
	v12 =	vbroadcast v12, $0x0;
	v11 =	vld.idx.msk [tilespmem:v11+s14+$0x0], $0xffff;
	v9 =	vor.u32 v6, v9  }
0x13a: {  	s31 =	sadd.s32 $0xFFFFFFFF, s22;
	v10 =	vand.u32 $0x7D, v47;
	v48 =	vld.idx.msk [tilespmem:v42+s13+$0x0], $0xffff;
	v7 =	vadd.f32 v8, v7;
	v8 =	vmul.f32 v43, v40  }
0x13b: {  	v49 =	vmov s31;
	v10 =	vbroadcast v10, $0x0;
	v12 =	vor.u32 v6, v12;
	v15 =	vld.idx.msk [tilespmem:v42+s14+$0x0], $0xffff  }
0x13c: {  	v14 =	vand.u32 $0x7E, v49;
	v50 =	vld.idx.msk [tilespmem:v13+s13+$0x0], $0xffff;
	v7 =	vadd.f32 v8, v7;
	v8 =	vmul.f32 v17, v44  }
0x13d: {  	v51 =	vmov s22;
	v14 =	vbroadcast v14, $0x0;
	v10 =	vor.u32 v6, v10;
	v13 =	vld.idx.msk [tilespmem:v13+s14+$0x0], $0xffff  }
0x13e: {  	v16 =	vand.u32 $0x7F, v51;
	v11 =	vmul.f32 v11, v46;
	v52 =	vld.idx.msk [tilespmem:v9+s13+$0x0], $0xffff;
	v7 =	vadd.f32 v8, v7  }
0x13f: {  	v14 =	vor.u32 v6, v14;
	v9 =	vld.idx.msk [tilespmem:v9+s14+$0x0], $0xffff;
	v8 =	vbroadcast v16, $0x0  }
0x140: {  	v53 =	vld.idx.msk [tilespmem:v12+s13+$0x0], $0xffff;
	v54 =	vmul.f32 v15, v48;
	v7 =	vadd.f32 v11, v7  }
0x141: {  	v12 =	vld.idx.msk [tilespmem:v12+s14+$0x0], $0xffff;
	v8 =	vor.u32 v6, v8  }
0x142: {  	v55 =	vld.idx.msk [tilespmem:v10+s13+$0x0], $0xffff;
	v56 =	vmul.f32 v13, v50;
	v7 =	vadd.f32 v54, v7  }
0x143: {  	v10 =	vld.idx.msk [tilespmem:v10+s14+$0x0], $0xffff  }
0x144: {  	v57 =	vld.idx.msk [tilespmem:v14+s13+$0x0], $0xffff;
	v9 =	vmul.f32 v9, v52;
	v7 =	vadd.f32 v56, v7  }
0x145: {  	v58 =	vld.idx.msk [tilespmem:v14+s14+$0x0], $0xffff  }
0x146: {  	v60 =	vmul.f32 v12, v53;
	v59 =	vld.idx.msk [tilespmem:v8+s13+$0x0], $0xffff;
	v7 =	vadd.f32 v9, v7  }
0x147: {  	v8 =	vld.idx.msk [tilespmem:v8+s14+$0x0], $0xffff  }
0x148: {  	v62 =	vld [tilespmem:$0xC0];
	v61 =	vmul.f32 v10, v55;
	v7 =	vadd.f32 v60, v7;
	_ =	sdelay $0x1  }
0x149: {  	v63 =	vmul.f32 v58, v57;
	v7 =	vadd.f32 v61, v7  }
0x14a: {  	s21 =	sadd.s32 $0x1, s21  }
0x14b: {  	p0 =	sne.s32 s21, $0x7D;
	v8 =	vmul.f32 v8, v59;
	v7 =	vadd.f32 v63, v7  }
.Ltmp6:
0x14c: {  	_ = 	snop;
	(pc) =	sbr.rel @p0 .LBB2_4-.Ltmp6, $3  }
0x14d: {  	v7 =	vadd.f32 v8, v7;
	_ =	sdelay $0x1  }
0x14e: {  	[tilespmem:v62+s17+$0x0] =	vst.idx.add.f32.msk $0xffff, v7  }
0x14f: {  	[tilespmem:v62+s18+$0x0] =	vst.idx.add.f32.msk $0xffff, v2  }
0x150: {  	[hbm4b:s7+s11] =	stream.strided.scatter [tilespmem:s17], [sflag:$0x3], $0x2780, s19, s11, $0x38;
	[tilespmem:$0xA000] =	vst v63  }
0x151: {  	s20 =	sadd.s32 $0x1, s20;
	_ =	swait.ge [sflag:s10], $0x2780  }
0x152: {  	p0 =	sne.s32 s20, s9;
	[sflag:s10] =	ssyncset.done $0x0  }
.Ltmp7:
0x153: {  	[sflag:s10] =	ssyncadd.s32 $0xFFFFD880;
	(pc) =	sbr.rel @p0 .LBB2_1-.Ltmp7, $4  }
0x154: {  	[hbm4b:s8+s11] =	stream.strided.scatter [tilespmem:s18], [sflag:$0x3], $0x2780, s19, s11, $0x38;
	[tilespmem:$0xA000] =	vst v63  }
0x155: {  	_ =	swait.ge [sflag:s10], $0x2780  }
0x156: {  	[sflag:s10] =	ssyncset.done $0x0  }
0x157: {  	[sflag:s10] =	ssyncadd.s32 $0xFFFFD880  }
0x158: {  	_ =	sfence.sel $0x180000  }
0x159: {  	[bflag:$0x0] =	sbarrier.arrive $0xFFFF  }
0x15a: {  	p0 =	sne.s32 s0, $0x0;
	_ =	strace $0x90000047  }
0x15b: {  	s0 =	sadd.s32 @!p0 $0x100000, s1;
	[bflag:$0x2] =	sbarrier.arrive $0xFFFF  }
0x15c: {  	[sflag:s0] =	ssyncadd.tile.s32 @!p0 $0x1;
	_ =	shalt  }
.Lfunc_end2:
_tile_overlayer_lowered:
.L_overlay_start_2:
0x15d: {  	(tag) =	ssettag $0x2  }
0x15e: {  	s0 =	rddreg [dreg:$0x0];
	s2 =	stileid.u32  }
0x15f: {  	s1 =	rddreg [dreg:$0x1];
	p0 =	sne.s32 s2, $0x0  }
0x160: {  	s3 =	rddreg [dreg:$0x2];
	[bflag:$0x3] =	sbarrier.arrive $0xFFFF;
	s2 =	simm.s32 @!p0 $0x1C03  }
0x161: {  	[timem:s3], [sflag:s2] =	dma.local @!p0 [hbm:s0], s1  }
0x162: {  	s0 =	simm.s32 @!p0 $0x3  }
0x163: {  	_ =	swait.ge @!p0 [sflag:s0], s1  }
0x164: {  	s1 =	ssub.s32 @!p0 $0x0, s1;
	[sflag:s0] =	ssyncset.done @!p0 $0x0  }
0x165: {  	[sflag:s0] =	ssyncadd.s32 @!p0 s1  }
0x166: {  	[bflag:$0x3] =	sbarrier.arrive $0xFFFF  }
0x167: {  	_ =	shalt  }

</sc_bundles>
